<compile_context>
chip_gen: v7x
topology: tpu7x:2x2x1
jax: 0.10.2.dev20260603
libtpu: 0.0.44.dev20260713+nightly
codegen_flags: <defaults>
</compile_context>

<pallas_src>
import jax
import jax.numpy as jnp
from jax import lax
from jax.experimental import pallas as pl
from jax.experimental.pallas import tpu as pltpu
from jax.experimental.pallas import tpu_sc as plsc

N = 10000
E = 320000
DF = 128
G = 64
D3 = 384
H = 8
HD = D3 // H
FF = 2048

NC = 2
NS = 16
NW = NC * NS
EW = E // NW
CHUNK = 80
NCHUNK = EW // CHUNK
NPAD = 10112
RPT = NPAD // NS


def _agg_body(h_hbm, src_hbm, dst_hbm, zeros_hbm, out_hbm,
              src_v, dst_v, rows_v, acc, sem0):
    cid = lax.axis_index("c")
    sid = lax.axis_index("s")
    wid = sid * NC + cid

    pltpu.sync_copy(zeros_hbm.at[pl.ds(sid * RPT, RPT)],
                    acc.at[pl.ds(sid * RPT, RPT)])
    pltpu.sync_copy(src_hbm.at[wid], src_v)
    pltpu.sync_copy(dst_hbm.at[wid], dst_v)
    plsc.subcore_barrier()

    def body(j, carry):
        pltpu.make_async_copy(
            h_hbm.at[src_v.at[j]], rows_v, sem0).start()
        pltpu.make_async_copy(
            h_hbm.at[src_v.at[j]], rows_v, sem0).wait()
        pltpu.sync_copy(rows_v, acc.at[dst_v.at[j]], add=True)
        return carry

    lax.fori_loop(0, NCHUNK, body, 0)

    plsc.subcore_barrier()
    pltpu.sync_copy(acc.at[pl.ds(sid * RPT, RPT)],
                    out_hbm.at[cid, pl.ds(sid * RPT, RPT)])


_agg_cache = []


def _agg(h, src, dst, zeros):
    if not _agg_cache:
        _agg_cache.append(pl.kernel(
            _agg_body,
            out_type=jax.ShapeDtypeStruct((NC, NPAD, DF), jnp.float32),
            mesh=plsc.VectorSubcoreMesh(core_axis_name="c",
                                        subcore_axis_name="s",
                                        num_cores=NC, num_subcores=NS),
            scratch_types=[
                pltpu.VMEM((NCHUNK, CHUNK), jnp.int32),
                pltpu.VMEM((NCHUNK, CHUNK), jnp.int32),
                pltpu.VMEM((CHUNK, DF), jnp.float32),
                pltpu.VMEM_SHARED((NPAD, DF), jnp.float32),
                pltpu.SemaphoreType.DMA,
            ],
        ))
    return _agg_cache[0](h, src, dst, zeros)


BN = 2000


def _mlp_body(h_ref, a0_ref, a1_ref, w1_ref, s1_ref, c1_ref, w2_ref, b2_ref,
              o_ref):
    t = h_ref[...] + a0_ref[0] + a1_ref[0]
    t = jnp.dot(t, w1_ref[...], preferred_element_type=jnp.float32,
                precision=lax.Precision.HIGHEST)
    t = jnp.maximum(t * s1_ref[...] + c1_ref[...], 0.0)
    t = jnp.dot(t, w2_ref[...], preferred_element_type=jnp.float32,
                precision=lax.Precision.HIGHEST)
    o_ref[...] = jnp.maximum(t + b2_ref[...], 0.0)


def _mlp(h, agg, w1t, s1, c1, w2t, b2):
    return pl.pallas_call(
        _mlp_body,
        grid=(N // BN,),
        in_specs=[
            pl.BlockSpec((BN, DF), lambda i: (i, 0)),
            pl.BlockSpec((1, BN, DF), lambda i: (0, i, 0)),
            pl.BlockSpec((1, BN, DF), lambda i: (1, i, 0)),
            pl.BlockSpec((DF, DF), lambda i: (0, 0)),
            pl.BlockSpec((1, DF), lambda i: (0, 0)),
            pl.BlockSpec((1, DF), lambda i: (0, 0)),
            pl.BlockSpec((DF, DF), lambda i: (0, 0)),
            pl.BlockSpec((1, DF), lambda i: (0, 0)),
        ],
        out_specs=pl.BlockSpec((BN, DF), lambda i: (i, 0)),
        out_shape=jax.ShapeDtypeStruct((N, DF), jnp.float32),
    )(h, agg, agg, w1t, s1, c1, w2t, b2)


def _ln_in(x, g, b):
    mu = jnp.mean(x, axis=-1, keepdims=True)
    var = jnp.mean((x - mu) * (x - mu), axis=-1, keepdims=True)
    return (x - mu) * lax.rsqrt(var + 1e-5) * g + b


def _head_body(h1_ref, h2_ref, h3_ref, bat_ref, ipw_ref, ipb_ref, opw_ref,
               opb_ref, f1w_ref, f1b_ref, f2w_ref, f2b_ref, n1g_ref, n1b_ref,
               n2g_ref, n2b_ref, l1w_ref, l1b_ref, l2w_ref, l2b_ref, o_ref):
    segs = lax.broadcasted_iota(jnp.int32, (G, 1), 0)
    sel = (bat_ref[...] == segs).astype(jnp.float32)
    pooled = jnp.concatenate(
        [jnp.dot(sel, hr[...], preferred_element_type=jnp.float32,
                precision=lax.Precision.HIGHEST)
         for hr in (h1_ref, h2_ref, h3_ref)], axis=1)

    h = pooled
    qkv = jnp.dot(h, ipw_ref[...], preferred_element_type=jnp.float32,
                precision=lax.Precision.HIGHEST) \
        + ipb_ref[...]
    scale = 1.0 / (float(HD) ** 0.5)
    outs = []
    for i in range(H):
        q = qkv[:, i * HD:(i + 1) * HD]
        k = qkv[:, D3 + i * HD:D3 + (i + 1) * HD]
        v = qkv[:, 2 * D3 + i * HD:2 * D3 + (i + 1) * HD]
        a = lax.dot_general(q, k, (((1,), (1,)), ((), ())),
                            precision=lax.Precision.HIGHEST) * scale
        a = a - jnp.max(a, axis=-1, keepdims=True)
        a = jnp.exp(a)
        a = a / jnp.sum(a, axis=-1, keepdims=True)
        outs.append(jnp.dot(a, v, preferred_element_type=jnp.float32,
                precision=lax.Precision.HIGHEST))
    o = jnp.concatenate(outs, axis=1)
    o = jnp.dot(o, opw_ref[...], preferred_element_type=jnp.float32,
                precision=lax.Precision.HIGHEST) \
        + opb_ref[...]
    h = _ln_in(h + o, n1g_ref[...], n1b_ref[...])
    f = jnp.maximum(
        jnp.dot(h, f1w_ref[...], preferred_element_type=jnp.float32,
                precision=lax.Precision.HIGHEST)
        + f1b_ref[...], 0.0)
    f = jnp.dot(f, f2w_ref[...], preferred_element_type=jnp.float32,
                precision=lax.Precision.HIGHEST) \
        + f2b_ref[...]
    h = _ln_in(h + f, n2g_ref[...], n2b_ref[...])
    hm = jnp.mean(h, axis=0, keepdims=True)
    t = jnp.maximum(
        jnp.dot(hm, l1w_ref[...], preferred_element_type=jnp.float32,
                precision=lax.Precision.HIGHEST)
        + l1b_ref[...], 0.0)
    o_ref[...] = jnp.dot(t, l2w_ref[...],
                         preferred_element_type=jnp.float32,
                precision=lax.Precision.HIGHEST) + l2b_ref[...]


def _head(h1, h2, h3, bat, *ws):
    return pl.pallas_call(
        _head_body,
        out_shape=jax.ShapeDtypeStruct((1, 1), jnp.float32),
    )(h1, h2, h3, bat, *ws)


def kernel(x, edge_index, batch, nn1_w1, nn1_b1, nn1_g, nn1_be, nn1_m, nn1_v,
           nn1_w2, nn1_b2, nn2_w1, nn2_b1, nn2_g, nn2_be, nn2_m, nn2_v,
           nn2_w2, nn2_b2, in_proj_w, in_proj_b, out_proj_w, out_proj_b,
           ff1_w, ff1_b, ff2_w, ff2_b, norm1_g, norm1_b, norm2_g, norm2_b,
           lin1_w, lin1_b, lin2_w, lin2_b):
    src = edge_index[0].astype(jnp.int32).reshape(NW, NCHUNK, CHUNK)
    dst = edge_index[1].astype(jnp.int32).reshape(NW, NCHUNK, CHUNK)
    zeros = jnp.zeros((NPAD, DF), jnp.float32)
    bat = batch.astype(jnp.int32).reshape(1, N)

    s1_1 = nn1_g * lax.rsqrt(nn1_v + 1e-5)
    c1_1 = (nn1_b1 - nn1_m) * s1_1 + nn1_be
    s1_2 = nn2_g * lax.rsqrt(nn2_v + 1e-5)
    c1_2 = (nn2_b1 - nn2_m) * s1_2 + nn2_be

    r = lambda a: a.reshape(1, -1)
    p1 = (nn1_w1.T, r(s1_1), r(c1_1), nn1_w2.T, r(nn1_b2))
    p2 = (nn2_w1.T, r(s1_2), r(c1_2), nn2_w2.T, r(nn2_b2))

    h1 = _mlp(x, _agg(x, src, dst, zeros), *p1)
    h2 = _mlp(h1, _agg(h1, src, dst, zeros), *p2)
    h3 = _mlp(h2, _agg(h2, src, dst, zeros), *p2)

    return _head(h1, h2, h3, bat,
                 in_proj_w.T, r(in_proj_b), out_proj_w.T, r(out_proj_b),
                 ff1_w.T, r(ff1_b), ff2_w.T, r(ff2_b),
                 r(norm1_g), r(norm1_b), r(norm2_g), r(norm2_b),
                 lin1_w.T, r(lin1_b), lin2_w.T, r(lin2_b))

# --- scband reference (transcript-rebuilt; emitter-appended) ---
"""Pipeline reference for scband-ginvalue-network-4329327034729 (READ-ONLY COPY).

The authoritative reference and input builder live on the scoring server;
editing this copy changes nothing except your own understanding.
"""

import jax, jax.numpy as jnp
import numpy as np

N = 10000
E = 320000
DF = 128
DH = 128
G = 64
D3 = 384
H = 8
HD = D3 // H
FF = 2048


def setup_inputs(seed: int = 0):
    key = jax.random.key(seed)
    ks = jax.random.split(key, 32)
    def p(i, shape, s=0.05):
        return jax.random.normal(ks[i], shape, dtype=jnp.float32) * s
    inp = {}
    inp['x'] = jax.random.normal(ks[0], (N, DF), dtype=jnp.float32)
    inp['edge_index'] = jax.random.randint(ks[1], (2, E), 0, N)
    inp['batch'] = jnp.sort(jax.random.randint(ks[2], (N,), 0, G))
    inp['nn1_w1'] = p(3, (DH, DF)); inp['nn1_b1'] = p(4, (DH,))
    inp['nn1_g'] = jnp.ones((DH,), jnp.float32); inp['nn1_be'] = jnp.zeros((DH,), jnp.float32)
    inp['nn1_m'] = jnp.zeros((DH,), jnp.float32); inp['nn1_v'] = jnp.ones((DH,), jnp.float32)
    inp['nn1_w2'] = p(5, (DH, DH)); inp['nn1_b2'] = p(6, (DH,))
    inp['nn2_w1'] = p(7, (DH, DH)); inp['nn2_b1'] = p(8, (DH,))
    inp['nn2_g'] = jnp.ones((DH,), jnp.float32); inp['nn2_be'] = jnp.zeros((DH,), jnp.float32)
    inp['nn2_m'] = jnp.zeros((DH,), jnp.float32); inp['nn2_v'] = jnp.ones((DH,), jnp.float32)
    inp['nn2_w2'] = p(9, (DH, DH)); inp['nn2_b2'] = p(10, (DH,))
    inp['in_proj_w'] = p(11, (3 * D3, D3)); inp['in_proj_b'] = p(12, (3 * D3,))
    inp['out_proj_w'] = p(13, (D3, D3)); inp['out_proj_b'] = p(14, (D3,))
    inp['ff1_w'] = p(15, (FF, D3)); inp['ff1_b'] = p(16, (FF,))
    inp['ff2_w'] = p(17, (D3, FF)); inp['ff2_b'] = p(18, (D3,))
    inp['norm1_g'] = jnp.ones((D3,), jnp.float32); inp['norm1_b'] = jnp.zeros((D3,), jnp.float32)
    inp['norm2_g'] = jnp.ones((D3,), jnp.float32); inp['norm2_b'] = jnp.zeros((D3,), jnp.float32)
    inp['lin1_w'] = p(19, (DH, D3)); inp['lin1_b'] = p(20, (DH,))
    inp['lin2_w'] = p(21, (1, DH)); inp['lin2_b'] = p(22, (1,))
    return inp


def _gin(x, src, dst, w1, b1, g, be, m, v, w2, b2):
    agg = jnp.zeros_like(x).at[dst].add(x[src])
    h = x + agg
    h = h @ w1.T + b1
    h = (h - m) / jnp.sqrt(v + 1e-5) * g + be
    h = jax.nn.relu(h)
    h = h @ w2.T + b2
    h = jax.nn.relu(h)
    return h


def _ln(x, g, b):
    mu = x.mean(-1, keepdims=True)
    var = x.var(-1, keepdims=True)
    return (x - mu) / jnp.sqrt(var + 1e-5) * g + b


def reference(x, edge_index, batch, nn1_w1, nn1_b1, nn1_g, nn1_be, nn1_m, nn1_v, nn1_w2, nn1_b2, nn2_w1, nn2_b1, nn2_g, nn2_be, nn2_m, nn2_v, nn2_w2, nn2_b2, in_proj_w, in_proj_b, out_proj_w, out_proj_b, ff1_w, ff1_b, ff2_w, ff2_b, norm1_g, norm1_b, norm2_g, norm2_b, lin1_w, lin1_b, lin2_w, lin2_b):
    src, dst = edge_index[0], edge_index[1]
    h1 = jax.nn.relu(_gin(x, src, dst, nn1_w1, nn1_b1, nn1_g, nn1_be, nn1_m, nn1_v, nn1_w2, nn1_b2))
    h2 = jax.nn.relu(_gin(h1, src, dst, nn2_w1, nn2_b1, nn2_g, nn2_be, nn2_m, nn2_v, nn2_w2, nn2_b2))
    h3 = jax.nn.relu(_gin(h2, src, dst, nn2_w1, nn2_b1, nn2_g, nn2_be, nn2_m, nn2_v, nn2_w2, nn2_b2))
    pooled = jnp.concatenate([jax.ops.segment_sum(hh, batch, num_segments=G) for hh in (h1, h2, h3)], axis=1)
    h = pooled[None, :, :]
    qkv = h @ in_proj_w.T + in_proj_b
    q, k, v_ = jnp.split(qkv, 3, axis=-1)
    def heads(t):
        return t.reshape(1, G, H, HD).transpose(0, 2, 1, 3)
    q, k, v_ = heads(q), heads(k), heads(v_)
    att = jax.nn.softmax(q @ k.transpose(0, 1, 3, 2) / jnp.sqrt(float(HD)), axis=-1)
    o = (att @ v_).transpose(0, 2, 1, 3).reshape(1, G, D3)
    o = o @ out_proj_w.T + out_proj_b
    h = _ln(h + o, norm1_g, norm1_b)
    ffo = jax.nn.relu(h @ ff1_w.T + ff1_b) @ ff2_w.T + ff2_b
    h = _ln(h + ffo, norm2_g, norm2_b)
    hm = h.mean(axis=1)
    out = jax.nn.relu(hm @ lin1_w.T + lin1_b)
    return out @ lin2_w.T + lin2_b

if __name__ == "__main__":
    import jax
    _d = setup_inputs()
    print(jax.jit(kernel)(*tuple(_d.values())))

</pallas_src>

<mosaic_0001>
#map = affine_map<(d0, d1) -> (0, 0)>
#map1 = affine_map<(d0, d1) -> (0, 0, 0)>
module attributes {stable_mosaic.version = 14 : i64} {
  func.func @_agg_body(%arg0: i32, %arg1: i32, %arg2: memref<10000x128xf32, #tpu.memory_space<hbm>>, %arg3: memref<32x125x80xi32, #tpu.memory_space<hbm>>, %arg4: memref<32x125x80xi32, #tpu.memory_space<hbm>>, %arg5: memref<10112x128xf32, #tpu.memory_space<hbm>>, %arg6: memref<2x10112x128xf32, #tpu.memory_space<hbm>>, %arg7: memref<125x80xi32, #tpu.memory_space<vmem>>, %arg8: memref<125x80xi32, #tpu.memory_space<vmem>>, %arg9: memref<80x128xf32, #tpu.memory_space<vmem>>, %arg10: memref<10112x128xf32, #tpu.memory_space<vmem_shared>>, %arg11: memref<!tpu.dma_semaphore, #tpu.memory_space<semaphore_mem>>) attributes {dimension_semantics = [#tpu.dimension_semantics<core_parallel>, #tpu.dimension_semantics<subcore_parallel>], iteration_bounds = array<i64: 2, 16>, scalar_prefetch = 0 : i64, scratch_operands = 5 : i64, tpu.core_type = #tpu.core_type<sc_vector_subcore>, window_params = [{transform_indices = #map}, {transform_indices = #map1}, {transform_indices = #map1}, {transform_indices = #map}, {transform_indices = #map1}]} {
    %mul3A = arith.constant 2 : i32
    %mul3A_0 = arith.muli %arg1, %mul3A : i32
    %add3A = arith.addi %mul3A_0, %arg0 : i32
    %mul3A_1 = arith.constant 632 : i32
    %mul3A_2 = arith.muli %arg1, %mul3A_1 : i32
    %mul3A_3 = arith.constant 632 : i32
    %mul3A_4 = arith.muli %arg1, %mul3A_3 : i32
    "tpu.region"() ({
      %run_scoped3A = tpu.sem_alloc : memref<!tpu.dma_semaphore, #tpu.memory_space<semaphore_mem>>
      %dma_start3A = arith.constant 0 : i32
      %dma_start3A_15 = tpu.memref_slice %arg10[%mul3A_4, %dma_start3A] : memref<10112x128xf32, #tpu.memory_space<vmem_shared>> -> memref<632x128xf32, #tpu.memory_space<vmem_shared>>
      %dma_start3A_16 = arith.constant 0 : i32
      %dma_start3A_17 = tpu.memref_slice %arg5[%mul3A_2, %dma_start3A_16] : memref<10112x128xf32, #tpu.memory_space<hbm>> -> memref<632x128xf32, #tpu.memory_space<hbm>>
      tpu.enqueue_dma source(%dma_start3A_17 : memref<632x128xf32, #tpu.memory_space<hbm>>) target(%dma_start3A_15 : memref<632x128xf32, #tpu.memory_space<vmem_shared>>) target_semaphore(%run_scoped3A : memref<!tpu.dma_semaphore, #tpu.memory_space<semaphore_mem>>)
      %dma_wait3A = arith.constant 0 : i32
      %dma_wait3A_18 = tpu.memref_slice %arg10[%mul3A_4, %dma_wait3A] : memref<10112x128xf32, #tpu.memory_space<vmem_shared>> -> memref<632x128xf32, #tpu.memory_space<vmem_shared>>
      %dma_wait3A_19 = arith.constant 0 : i32
      %dma_wait3A_20 = tpu.memref_slice %arg5[%mul3A_2, %dma_wait3A_19] : memref<10112x128xf32, #tpu.memory_space<hbm>> -> memref<632x128xf32, #tpu.memory_space<hbm>>
      tpu.wait_dma2 semaphore(%run_scoped3A : memref<!tpu.dma_semaphore, #tpu.memory_space<semaphore_mem>>) src(%dma_wait3A_20 : memref<632x128xf32, #tpu.memory_space<hbm>>) dst(%dma_wait3A_18 : memref<632x128xf32, #tpu.memory_space<vmem_shared>>)
      tpu.yield
    }) : () -> ()
    "tpu.region"() ({
      %run_scoped3A = tpu.sem_alloc : memref<!tpu.dma_semaphore, #tpu.memory_space<semaphore_mem>>
      %dma_start3A = arith.constant 0 : i32
      %dma_start3A_15 = arith.constant 0 : i32
      %dma_start3A_16 = tpu.memref_slice %arg3[%add3A, %dma_start3A, %dma_start3A_15] : memref<32x125x80xi32, #tpu.memory_space<hbm>> -> memref<1x125x80xi32, #tpu.memory_space<hbm>>
      %dma_start3A_17 = tpu.memref_squeeze %dma_start3A_16 : memref<1x125x80xi32, #tpu.memory_space<hbm>> -> memref<125x80xi32, #tpu.memory_space<hbm>>
      %dma_start3A_18 = arith.constant 0 : i32
      %dma_start3A_19 = arith.constant 0 : i32
      %dma_start3A_20 = tpu.memref_slice %arg3[%add3A, %dma_start3A_18, %dma_start3A_19] : memref<32x125x80xi32, #tpu.memory_space<hbm>> -> memref<1x125x80xi32, #tpu.memory_space<hbm>>
      %dma_start3A_21 = tpu.memref_squeeze %dma_start3A_20 : memref<1x125x80xi32, #tpu.memory_space<hbm>> -> memref<125x80xi32, #tpu.memory_space<hbm>>
      tpu.enqueue_dma source(%dma_start3A_21 : memref<125x80xi32, #tpu.memory_space<hbm>>) target(%arg7 : memref<125x80xi32, #tpu.memory_space<vmem>>) target_semaphore(%run_scoped3A : memref<!tpu.dma_semaphore, #tpu.memory_space<semaphore_mem>>)
      %dma_wait3A = arith.constant 0 : i32
      %dma_wait3A_22 = arith.constant 0 : i32
      %dma_wait3A_23 = tpu.memref_slice %arg3[%add3A, %dma_wait3A, %dma_wait3A_22] : memref<32x125x80xi32, #tpu.memory_space<hbm>> -> memref<1x125x80xi32, #tpu.memory_space<hbm>>
      %dma_wait3A_24 = tpu.memref_squeeze %dma_wait3A_23 : memref<1x125x80xi32, #tpu.memory_space<hbm>> -> memref<125x80xi32, #tpu.memory_space<hbm>>
      %dma_wait3A_25 = arith.constant 0 : i32
      %dma_wait3A_26 = arith.constant 0 : i32
      %dma_wait3A_27 = tpu.memref_slice %arg3[%add3A, %dma_wait3A_25, %dma_wait3A_26] : memref<32x125x80xi32, #tpu.memory_space<hbm>> -> memref<1x125x80xi32, #tpu.memory_space<hbm>>
      %dma_wait3A_28 = tpu.memref_squeeze %dma_wait3A_27 : memref<1x125x80xi32, #tpu.memory_space<hbm>> -> memref<125x80xi32, #tpu.memory_space<hbm>>
      tpu.wait_dma2 semaphore(%run_scoped3A : memref<!tpu.dma_semaphore, #tpu.memory_space<semaphore_mem>>) src(%dma_wait3A_28 : memref<125x80xi32, #tpu.memory_space<hbm>>) dst(%arg7 : memref<125x80xi32, #tpu.memory_space<vmem>>)
      tpu.yield
    }) : () -> ()
    "tpu.region"() ({
      %run_scoped3A = tpu.sem_alloc : memref<!tpu.dma_semaphore, #tpu.memory_space<semaphore_mem>>
      %dma_start3A = arith.constant 0 : i32
      %dma_start3A_15 = arith.constant 0 : i32
      %dma_start3A_16 = tpu.memref_slice %arg4[%add3A, %dma_start3A, %dma_start3A_15] : memref<32x125x80xi32, #tpu.memory_space<hbm>> -> memref<1x125x80xi32, #tpu.memory_space<hbm>>
      %dma_start3A_17 = tpu.memref_squeeze %dma_start3A_16 : memref<1x125x80xi32, #tpu.memory_space<hbm>> -> memref<125x80xi32, #tpu.memory_space<hbm>>
      %dma_start3A_18 = arith.constant 0 : i32
      %dma_start3A_19 = arith.constant 0 : i32
      %dma_start3A_20 = tpu.memref_slice %arg4[%add3A, %dma_start3A_18, %dma_start3A_19] : memref<32x125x80xi32, #tpu.memory_space<hbm>> -> memref<1x125x80xi32, #tpu.memory_space<hbm>>
      %dma_start3A_21 = tpu.memref_squeeze %dma_start3A_20 : memref<1x125x80xi32, #tpu.memory_space<hbm>> -> memref<125x80xi32, #tpu.memory_space<hbm>>
      tpu.enqueue_dma source(%dma_start3A_21 : memref<125x80xi32, #tpu.memory_space<hbm>>) target(%arg8 : memref<125x80xi32, #tpu.memory_space<vmem>>) target_semaphore(%run_scoped3A : memref<!tpu.dma_semaphore, #tpu.memory_space<semaphore_mem>>)
      %dma_wait3A = arith.constant 0 : i32
      %dma_wait3A_22 = arith.constant 0 : i32
      %dma_wait3A_23 = tpu.memref_slice %arg4[%add3A, %dma_wait3A, %dma_wait3A_22] : memref<32x125x80xi32, #tpu.memory_space<hbm>> -> memref<1x125x80xi32, #tpu.memory_space<hbm>>
      %dma_wait3A_24 = tpu.memref_squeeze %dma_wait3A_23 : memref<1x125x80xi32, #tpu.memory_space<hbm>> -> memref<125x80xi32, #tpu.memory_space<hbm>>
      %dma_wait3A_25 = arith.constant 0 : i32
      %dma_wait3A_26 = arith.constant 0 : i32
      %dma_wait3A_27 = tpu.memref_slice %arg4[%add3A, %dma_wait3A_25, %dma_wait3A_26] : memref<32x125x80xi32, #tpu.memory_space<hbm>> -> memref<1x125x80xi32, #tpu.memory_space<hbm>>
      %dma_wait3A_28 = tpu.memref_squeeze %dma_wait3A_27 : memref<1x125x80xi32, #tpu.memory_space<hbm>> -> memref<125x80xi32, #tpu.memory_space<hbm>>
      tpu.wait_dma2 semaphore(%run_scoped3A : memref<!tpu.dma_semaphore, #tpu.memory_space<semaphore_mem>>) src(%dma_wait3A_28 : memref<125x80xi32, #tpu.memory_space<hbm>>) dst(%arg8 : memref<125x80xi32, #tpu.memory_space<vmem>>)
      tpu.yield
    }) : () -> ()
    %barrier3A = arith.constant 0 : index
    tpu.barrier barrier_id(%barrier3A)
    %scan3A = arith.constant 0 : i32
    %scan3A_5 = arith.constant 0 : i32
    %scan3A_6 = arith.constant 125 : i32
    %scan3A_7 = arith.addi %scan3A_5, %scan3A_6 : i32
    %scan3A_8 = arith.constant 1 : i32
    scf.for %scan3A_15 = %scan3A_5 to %scan3A_7 step %scan3A_8  : i32 {
      %dma_start3A = arith.constant 0 : i32
      %dma_start3A_16 = tpu.memref_slice %arg7[%scan3A_15, %dma_start3A] : memref<125x80xi32, #tpu.memory_space<vmem>> -> memref<1x80xi32, #tpu.memory_space<vmem>>
      %dma_start3A_17 = tpu.memref_squeeze %dma_start3A_16 : memref<1x80xi32, #tpu.memory_space<vmem>> -> memref<80xi32, #tpu.memory_space<vmem>>
      %dma_start3A_18 = arith.constant 0 : i32
      %dma_start3A_19 = arith.constant 0 : i32
      %dma_start3A_20 = tpu.memref_slice %arg2[%dma_start3A_18, %dma_start3A_19] : memref<10000x128xf32, #tpu.memory_space<hbm>> -> memref<10000x128xf32, #tpu.memory_space<hbm>>
      tpu.enqueue_indirect_dma source(%dma_start3A_20 : memref<10000x128xf32, #tpu.memory_space<hbm>>) target(%arg9 : memref<80x128xf32, #tpu.memory_space<vmem>>) offsets(%dma_start3A_17 : memref<80xi32, #tpu.memory_space<vmem>>) semaphore(%arg11 : memref<!tpu.dma_semaphore, #tpu.memory_space<semaphore_mem>>)
      %dma_wait3A = arith.constant 0 : i32
      %dma_wait3A_21 = tpu.memref_slice %arg7[%scan3A_15, %dma_wait3A] : memref<125x80xi32, #tpu.memory_space<vmem>> -> memref<1x80xi32, #tpu.memory_space<vmem>>
      %dma_wait3A_22 = tpu.memref_squeeze %dma_wait3A_21 : memref<1x80xi32, #tpu.memory_space<vmem>> -> memref<80xi32, #tpu.memory_space<vmem>>
      %dma_wait3A_23 = arith.constant 0 : i32
      %dma_wait3A_24 = arith.constant 0 : i32
      %dma_wait3A_25 = tpu.memref_slice %arg2[%dma_wait3A_23, %dma_wait3A_24] : memref<10000x128xf32, #tpu.memory_space<hbm>> -> memref<10000x128xf32, #tpu.memory_space<hbm>>
      tpu.wait_indirect_dma semaphore(%arg11 : memref<!tpu.dma_semaphore, #tpu.memory_space<semaphore_mem>>) src(%dma_wait3A_25 : memref<10000x128xf32, #tpu.memory_space<hbm>>) dst(%arg9 : memref<80x128xf32, #tpu.memory_space<vmem>>)
      "tpu.region"() ({
        %run_scoped3A = tpu.sem_alloc : memref<!tpu.dma_semaphore, #tpu.memory_space<semaphore_mem>>
        %dma_start3A_26 = arith.constant 0 : i32
        %dma_start3A_27 = tpu.memref_slice %arg8[%scan3A_15, %dma_start3A_26] : memref<125x80xi32, #tpu.memory_space<vmem>> -> memref<1x80xi32, #tpu.memory_space<vmem>>
        %dma_start3A_28 = tpu.memref_squeeze %dma_start3A_27 : memref<1x80xi32, #tpu.memory_space<vmem>> -> memref<80xi32, #tpu.memory_space<vmem>>
        %dma_start3A_29 = arith.constant 0 : i32
        %dma_start3A_30 = arith.constant 0 : i32
        %dma_start3A_31 = tpu.memref_slice %arg10[%dma_start3A_29, %dma_start3A_30] : memref<10112x128xf32, #tpu.memory_space<vmem_shared>> -> memref<10112x128xf32, #tpu.memory_space<vmem_shared>>
        tpu.enqueue_indirect_dma source(%arg9 : memref<80x128xf32, #tpu.memory_space<vmem>>) target(%dma_start3A_31 : memref<10112x128xf32, #tpu.memory_space<vmem_shared>>) offsets(%dma_start3A_28 : memref<80xi32, #tpu.memory_space<vmem>>) semaphore(%run_scoped3A : memref<!tpu.dma_semaphore, #tpu.memory_space<semaphore_mem>>) {add = true}
        %dma_wait3A_32 = arith.constant 0 : i32
        %dma_wait3A_33 = tpu.memref_slice %arg8[%scan3A_15, %dma_wait3A_32] : memref<125x80xi32, #tpu.memory_space<vmem>> -> memref<1x80xi32, #tpu.memory_space<vmem>>
        %dma_wait3A_34 = tpu.memref_squeeze %dma_wait3A_33 : memref<1x80xi32, #tpu.memory_space<vmem>> -> memref<80xi32, #tpu.memory_space<vmem>>
        %dma_wait3A_35 = arith.constant 0 : i32
        %dma_wait3A_36 = arith.constant 0 : i32
        %dma_wait3A_37 = tpu.memref_slice %arg10[%dma_wait3A_35, %dma_wait3A_36] : memref<10112x128xf32, #tpu.memory_space<vmem_shared>> -> memref<10112x128xf32, #tpu.memory_space<vmem_shared>>
        tpu.wait_indirect_dma semaphore(%run_scoped3A : memref<!tpu.dma_semaphore, #tpu.memory_space<semaphore_mem>>) src(%arg9 : memref<80x128xf32, #tpu.memory_space<vmem>>) dst(%dma_wait3A_37 : memref<10112x128xf32, #tpu.memory_space<vmem_shared>>)
        tpu.yield
      }) : () -> ()
    }
    %scan3A_9 = arith.constant 125 : i32
    %barrier3A_10 = arith.constant 0 : index
    tpu.barrier barrier_id(%barrier3A_10)
    %mul3A_11 = arith.constant 632 : i32
    %mul3A_12 = arith.muli %arg1, %mul3A_11 : i32
    %mul3A_13 = arith.constant 632 : i32
    %mul3A_14 = arith.muli %arg1, %mul3A_13 : i32
    "tpu.region"() ({
      %run_scoped3A = tpu.sem_alloc : memref<!tpu.dma_semaphore, #tpu.memory_space<semaphore_mem>>
      %dma_start3A = arith.constant 0 : i32
      %dma_start3A_15 = tpu.memref_slice %arg6[%arg0, %mul3A_14, %dma_start3A] : memref<2x10112x128xf32, #tpu.memory_space<hbm>> -> memref<1x632x128xf32, #tpu.memory_space<hbm>>
      %dma_start3A_16 = tpu.memref_squeeze %dma_start3A_15 : memref<1x632x128xf32, #tpu.memory_space<hbm>> -> memref<632x128xf32, #tpu.memory_space<hbm>>
      %dma_start3A_17 = arith.constant 0 : i32
      %dma_start3A_18 = tpu.memref_slice %arg10[%mul3A_12, %dma_start3A_17] : memref<10112x128xf32, #tpu.memory_space<vmem_shared>> -> memref<632x128xf32, #tpu.memory_space<vmem_shared>>
      tpu.enqueue_dma source(%dma_start3A_18 : memref<632x128xf32, #tpu.memory_space<vmem_shared>>) target(%dma_start3A_16 : memref<632x128xf32, #tpu.memory_space<hbm>>) target_semaphore(%run_scoped3A : memref<!tpu.dma_semaphore, #tpu.memory_space<semaphore_mem>>)
      %dma_wait3A = arith.constant 0 : i32
      %dma_wait3A_19 = tpu.memref_slice %arg6[%arg0, %mul3A_14, %dma_wait3A] : memref<2x10112x128xf32, #tpu.memory_space<hbm>> -> memref<1x632x128xf32, #tpu.memory_space<hbm>>
      %dma_wait3A_20 = tpu.memref_squeeze %dma_wait3A_19 : memref<1x632x128xf32, #tpu.memory_space<hbm>> -> memref<632x128xf32, #tpu.memory_space<hbm>>
      %dma_wait3A_21 = arith.constant 0 : i32
      %dma_wait3A_22 = tpu.memref_slice %arg10[%mul3A_12, %dma_wait3A_21] : memref<10112x128xf32, #tpu.memory_space<vmem_shared>> -> memref<632x128xf32, #tpu.memory_space<vmem_shared>>
      tpu.wait_dma2 semaphore(%run_scoped3A : memref<!tpu.dma_semaphore, #tpu.memory_space<semaphore_mem>>) src(%dma_wait3A_22 : memref<632x128xf32, #tpu.memory_space<vmem_shared>>) dst(%dma_wait3A_20 : memref<632x128xf32, #tpu.memory_space<hbm>>)
      tpu.yield
    }) : () -> ()
    return
  }
}

#map = affine_map<(d0, d1) -> (0, 0)>
#map1 = affine_map<(d0, d1) -> (0, 0, 0)>
module attributes {stable_mosaic.version = 14 : i64} {
  func.func @_agg_body(%arg0: i32, %arg1: i32, %arg2: memref<10000x128xf32, #tpu.memory_space<hbm>>, %arg3: memref<32x125x80xi32, #tpu.memory_space<hbm>>, %arg4: memref<32x125x80xi32, #tpu.memory_space<hbm>>, %arg5: memref<10112x128xf32, #tpu.memory_space<hbm>>, %arg6: memref<2x10112x128xf32, #tpu.memory_space<hbm>>, %arg7: memref<125x80xi32, #tpu.memory_space<vmem>>, %arg8: memref<125x80xi32, #tpu.memory_space<vmem>>, %arg9: memref<80x128xf32, #tpu.memory_space<vmem>>, %arg10: memref<10112x128xf32, #tpu.memory_space<vmem_shared>>, %arg11: memref<!tpu.dma_semaphore, #tpu.memory_space<semaphore_mem>>) attributes {dimension_semantics = [#tpu.dimension_semantics<core_parallel>, #tpu.dimension_semantics<subcore_parallel>], iteration_bounds = array<i64: 2, 16>, scalar_prefetch = 0 : i64, scratch_operands = 5 : i64, tpu.core_type = #tpu.core_type<sc_vector_subcore>, window_params = [{transform_indices = #map}, {transform_indices = #map1}, {transform_indices = #map1}, {transform_indices = #map}, {transform_indices = #map1}]} {
    %mul3A = arith.constant 2 : i32
    %mul3A_0 = arith.muli %arg1, %mul3A : i32
    %add3A = arith.addi %mul3A_0, %arg0 : i32
    %mul3A_1 = arith.constant 632 : i32
    %mul3A_2 = arith.muli %arg1, %mul3A_1 : i32
    %mul3A_3 = arith.constant 632 : i32
    %mul3A_4 = arith.muli %arg1, %mul3A_3 : i32
    "tpu.region"() ({
      %run_scoped3A = tpu.sem_alloc : memref<!tpu.dma_semaphore, #tpu.memory_space<semaphore_mem>>
      %dma_start3A = arith.constant 0 : i32
      %dma_start3A_15 = tpu.memref_slice %arg10[%mul3A_4, %dma_start3A] : memref<10112x128xf32, #tpu.memory_space<vmem_shared>> -> memref<632x128xf32, #tpu.memory_space<vmem_shared>>
      %dma_start3A_16 = arith.constant 0 : i32
      %dma_start3A_17 = tpu.memref_slice %arg5[%mul3A_2, %dma_start3A_16] : memref<10112x128xf32, #tpu.memory_space<hbm>> -> memref<632x128xf32, #tpu.memory_space<hbm>>
      tpu.enqueue_dma source(%dma_start3A_17 : memref<632x128xf32, #tpu.memory_space<hbm>>) target(%dma_start3A_15 : memref<632x128xf32, #tpu.memory_space<vmem_shared>>) target_semaphore(%run_scoped3A : memref<!tpu.dma_semaphore, #tpu.memory_space<semaphore_mem>>)
      %dma_wait3A = arith.constant 0 : i32
      %dma_wait3A_18 = tpu.memref_slice %arg10[%mul3A_4, %dma_wait3A] : memref<10112x128xf32, #tpu.memory_space<vmem_shared>> -> memref<632x128xf32, #tpu.memory_space<vmem_shared>>
      %dma_wait3A_19 = arith.constant 0 : i32
      %dma_wait3A_20 = tpu.memref_slice %arg5[%mul3A_2, %dma_wait3A_19] : memref<10112x128xf32, #tpu.memory_space<hbm>> -> memref<632x128xf32, #tpu.memory_space<hbm>>
      tpu.wait_dma2 semaphore(%run_scoped3A : memref<!tpu.dma_semaphore, #tpu.memory_space<semaphore_mem>>) src(%dma_wait3A_20 : memref<632x128xf32, #tpu.memory_space<hbm>>) dst(%dma_wait3A_18 : memref<632x128xf32, #tpu.memory_space<vmem_shared>>)
      tpu.yield
    }) : () -> ()
    "tpu.region"() ({
      %run_scoped3A = tpu.sem_alloc : memref<!tpu.dma_semaphore, #tpu.memory_space<semaphore_mem>>
      %dma_start3A = arith.constant 0 : i32
      %dma_start3A_15 = arith.constant 0 : i32
      %dma_start3A_16 = tpu.memref_slice %arg3[%add3A, %dma_start3A, %dma_start3A_15] : memref<32x125x80xi32, #tpu.memory_space<hbm>> -> memref<1x125x80xi32, #tpu.memory_space<hbm>>
      %dma_start3A_17 = tpu.memref_squeeze %dma_start3A_16 : memref<1x125x80xi32, #tpu.memory_space<hbm>> -> memref<125x80xi32, #tpu.memory_space<hbm>>
      %dma_start3A_18 = arith.constant 0 : i32
      %dma_start3A_19 = arith.constant 0 : i32
      %dma_start3A_20 = tpu.memref_slice %arg3[%add3A, %dma_start3A_18, %dma_start3A_19] : memref<32x125x80xi32, #tpu.memory_space<hbm>> -> memref<1x125x80xi32, #tpu.memory_space<hbm>>
      %dma_start3A_21 = tpu.memref_squeeze %dma_start3A_20 : memref<1x125x80xi32, #tpu.memory_space<hbm>> -> memref<125x80xi32, #tpu.memory_space<hbm>>
      tpu.enqueue_dma source(%dma_start3A_21 : memref<125x80xi32, #tpu.memory_space<hbm>>) target(%arg7 : memref<125x80xi32, #tpu.memory_space<vmem>>) target_semaphore(%run_scoped3A : memref<!tpu.dma_semaphore, #tpu.memory_space<semaphore_mem>>)
      %dma_wait3A = arith.constant 0 : i32
      %dma_wait3A_22 = arith.constant 0 : i32
      %dma_wait3A_23 = tpu.memref_slice %arg3[%add3A, %dma_wait3A, %dma_wait3A_22] : memref<32x125x80xi32, #tpu.memory_space<hbm>> -> memref<1x125x80xi32, #tpu.memory_space<hbm>>
      %dma_wait3A_24 = tpu.memref_squeeze %dma_wait3A_23 : memref<1x125x80xi32, #tpu.memory_space<hbm>> -> memref<125x80xi32, #tpu.memory_space<hbm>>
      %dma_wait3A_25 = arith.constant 0 : i32
      %dma_wait3A_26 = arith.constant 0 : i32
      %dma_wait3A_27 = tpu.memref_slice %arg3[%add3A, %dma_wait3A_25, %dma_wait3A_26] : memref<32x125x80xi32, #tpu.memory_space<hbm>> -> memref<1x125x80xi32, #tpu.memory_space<hbm>>
      %dma_wait3A_28 = tpu.memref_squeeze %dma_wait3A_27 : memref<1x125x80xi32, #tpu.memory_space<hbm>> -> memref<125x80xi32, #tpu.memory_space<hbm>>
      tpu.wait_dma2 semaphore(%run_scoped3A : memref<!tpu.dma_semaphore, #tpu.memory_space<semaphore_mem>>) src(%dma_wait3A_28 : memref<125x80xi32, #tpu.memory_space<hbm>>) dst(%arg7 : memref<125x80xi32, #tpu.memory_space<vmem>>)
      tpu.yield
    }) : () -> ()
    "tpu.region"() ({
      %run_scoped3A = tpu.sem_alloc : memref<!tpu.dma_semaphore, #tpu.memory_space<semaphore_mem>>
      %dma_start3A = arith.constant 0 : i32
      %dma_start3A_15 = arith.constant 0 : i32
      %dma_start3A_16 = tpu.memref_slice %arg4[%add3A, %dma_start3A, %dma_start3A_15] : memref<32x125x80xi32, #tpu.memory_space<hbm>> -> memref<1x125x80xi32, #tpu.memory_space<hbm>>
      %dma_start3A_17 = tpu.memref_squeeze %dma_start3A_16 : memref<1x125x80xi32, #tpu.memory_space<hbm>> -> memref<125x80xi32, #tpu.memory_space<hbm>>
      %dma_start3A_18 = arith.constant 0 : i32
      %dma_start3A_19 = arith.constant 0 : i32
      %dma_start3A_20 = tpu.memref_slice %arg4[%add3A, %dma_start3A_18, %dma_start3A_19] : memref<32x125x80xi32, #tpu.memory_space<hbm>> -> memref<1x125x80xi32, #tpu.memory_space<hbm>>
      %dma_start3A_21 = tpu.memref_squeeze %dma_start3A_20 : memref<1x125x80xi32, #tpu.memory_space<hbm>> -> memref<125x80xi32, #tpu.memory_space<hbm>>
      tpu.enqueue_dma source(%dma_start3A_21 : memref<125x80xi32, #tpu.memory_space<hbm>>) target(%arg8 : memref<125x80xi32, #tpu.memory_space<vmem>>) target_semaphore(%run_scoped3A : memref<!tpu.dma_semaphore, #tpu.memory_space<semaphore_mem>>)
      %dma_wait3A = arith.constant 0 : i32
      %dma_wait3A_22 = arith.constant 0 : i32
      %dma_wait3A_23 = tpu.memref_slice %arg4[%add3A, %dma_wait3A, %dma_wait3A_22] : memref<32x125x80xi32, #tpu.memory_space<hbm>> -> memref<1x125x80xi32, #tpu.memory_space<hbm>>
      %dma_wait3A_24 = tpu.memref_squeeze %dma_wait3A_23 : memref<1x125x80xi32, #tpu.memory_space<hbm>> -> memref<125x80xi32, #tpu.memory_space<hbm>>
      %dma_wait3A_25 = arith.constant 0 : i32
      %dma_wait3A_26 = arith.constant 0 : i32
      %dma_wait3A_27 = tpu.memref_slice %arg4[%add3A, %dma_wait3A_25, %dma_wait3A_26] : memref<32x125x80xi32, #tpu.memory_space<hbm>> -> memref<1x125x80xi32, #tpu.memory_space<hbm>>
      %dma_wait3A_28 = tpu.memref_squeeze %dma_wait3A_27 : memref<1x125x80xi32, #tpu.memory_space<hbm>> -> memref<125x80xi32, #tpu.memory_space<hbm>>
      tpu.wait_dma2 semaphore(%run_scoped3A : memref<!tpu.dma_semaphore, #tpu.memory_space<semaphore_mem>>) src(%dma_wait3A_28 : memref<125x80xi32, #tpu.memory_space<hbm>>) dst(%arg8 : memref<125x80xi32, #tpu.memory_space<vmem>>)
      tpu.yield
    }) : () -> ()
    %barrier3A = arith.constant 0 : index
    tpu.barrier barrier_id(%barrier3A)
    %scan3A = arith.constant 0 : i32
    %scan3A_5 = arith.constant 0 : i32
    %scan3A_6 = arith.constant 125 : i32
    %scan3A_7 = arith.addi %scan3A_5, %scan3A_6 : i32
    %scan3A_8 = arith.constant 1 : i32
    scf.for %scan3A_15 = %scan3A_5 to %scan3A_7 step %scan3A_8  : i32 {
      %dma_start3A = arith.constant 0 : i32
      %dma_start3A_16 = tpu.memref_slice %arg7[%scan3A_15, %dma_start3A] : memref<125x80xi32, #tpu.memory_space<vmem>> -> memref<1x80xi32, #tpu.memory_space<vmem>>
      %dma_start3A_17 = tpu.memref_squeeze %dma_start3A_16 : memref<1x80xi32, #tpu.memory_space<vmem>> -> memref<80xi32, #tpu.memory_space<vmem>>
      %dma_start3A_18 = arith.constant 0 : i32
      %dma_start3A_19 = arith.constant 0 : i32
      %dma_start3A_20 = tpu.memref_slice %arg2[%dma_start3A_18, %dma_start3A_19] : memref<10000x128xf32, #tpu.memory_space<hbm>> -> memref<10000x128xf32, #tpu.memory_space<hbm>>
      tpu.enqueue_indirect_dma source(%dma_start3A_20 : memref<10000x128xf32, #tpu.memory_space<hbm>>) target(%arg9 : memref<80x128xf32, #tpu.memory_space<vmem>>) offsets(%dma_start3A_17 : memref<80xi32, #tpu.memory_space<vmem>>) semaphore(%arg11 : memref<!tpu.dma_semaphore, #tpu.memory_space<semaphore_mem>>)
      %dma_wait3A = arith.constant 0 : i32
      %dma_wait3A_21 = tpu.memref_slice %arg7[%scan3A_15, %dma_wait3A] : memref<125x80xi32, #tpu.memory_space<vmem>> -> memref<1x80xi32, #tpu.memory_space<vmem>>
      %dma_wait3A_22 = tpu.memref_squeeze %dma_wait3A_21 : memref<1x80xi32, #tpu.memory_space<vmem>> -> memref<80xi32, #tpu.memory_space<vmem>>
      %dma_wait3A_23 = arith.constant 0 : i32
      %dma_wait3A_24 = arith.constant 0 : i32
      %dma_wait3A_25 = tpu.memref_slice %arg2[%dma_wait3A_23, %dma_wait3A_24] : memref<10000x128xf32, #tpu.memory_space<hbm>> -> memref<10000x128xf32, #tpu.memory_space<hbm>>
      tpu.wait_indirect_dma semaphore(%arg11 : memref<!tpu.dma_semaphore, #tpu.memory_space<semaphore_mem>>) src(%dma_wait3A_25 : memref<10000x128xf32, #tpu.memory_space<hbm>>) dst(%arg9 : memref<80x128xf32, #tpu.memory_space<vmem>>)
      "tpu.region"() ({
        %run_scoped3A = tpu.sem_alloc : memref<!tpu.dma_semaphore, #tpu.memory_space<semaphore_mem>>
        %dma_start3A_26 = arith.constant 0 : i32
        %dma_start3A_27 = tpu.memref_slice %arg8[%scan3A_15, %dma_start3A_26] : memref<125x80xi32, #tpu.memory_space<vmem>> -> memref<1x80xi32, #tpu.memory_space<vmem>>
        %dma_start3A_28 = tpu.memref_squeeze %dma_start3A_27 : memref<1x80xi32, #tpu.memory_space<vmem>> -> memref<80xi32, #tpu.memory_space<vmem>>
        %dma_start3A_29 = arith.constant 0 : i32
        %dma_start3A_30 = arith.constant 0 : i32
        %dma_start3A_31 = tpu.memref_slice %arg10[%dma_start3A_29, %dma_start3A_30] : memref<10112x128xf32, #tpu.memory_space<vmem_shared>> -> memref<10112x128xf32, #tpu.memory_space<vmem_shared>>
        tpu.enqueue_indirect_dma source(%arg9 : memref<80x128xf32, #tpu.memory_space<vmem>>) target(%dma_start3A_31 : memref<10112x128xf32, #tpu.memory_space<vmem_shared>>) offsets(%dma_start3A_28 : memref<80xi32, #tpu.memory_space<vmem>>) semaphore(%run_scoped3A : memref<!tpu.dma_semaphore, #tpu.memory_space<semaphore_mem>>) {add = true}
        %dma_wait3A_32 = arith.constant 0 : i32
        %dma_wait3A_33 = tpu.memref_slice %arg8[%scan3A_15, %dma_wait3A_32] : memref<125x80xi32, #tpu.memory_space<vmem>> -> memref<1x80xi32, #tpu.memory_space<vmem>>
        %dma_wait3A_34 = tpu.memref_squeeze %dma_wait3A_33 : memref<1x80xi32, #tpu.memory_space<vmem>> -> memref<80xi32, #tpu.memory_space<vmem>>
        %dma_wait3A_35 = arith.constant 0 : i32
        %dma_wait3A_36 = arith.constant 0 : i32
        %dma_wait3A_37 = tpu.memref_slice %arg10[%dma_wait3A_35, %dma_wait3A_36] : memref<10112x128xf32, #tpu.memory_space<vmem_shared>> -> memref<10112x128xf32, #tpu.memory_space<vmem_shared>>
        tpu.wait_indirect_dma semaphore(%run_scoped3A : memref<!tpu.dma_semaphore, #tpu.memory_space<semaphore_mem>>) src(%arg9 : memref<80x128xf32, #tpu.memory_space<vmem>>) dst(%dma_wait3A_37 : memref<10112x128xf32, #tpu.memory_space<vmem_shared>>)
        tpu.yield
      }) : () -> ()
    }
    %scan3A_9 = arith.constant 125 : i32
    %barrier3A_10 = arith.constant 0 : index
    tpu.barrier barrier_id(%barrier3A_10)
    %mul3A_11 = arith.constant 632 : i32
    %mul3A_12 = arith.muli %arg1, %mul3A_11 : i32
    %mul3A_13 = arith.constant 632 : i32
    %mul3A_14 = arith.muli %arg1, %mul3A_13 : i32
    "tpu.region"() ({
      %run_scoped3A = tpu.sem_alloc : memref<!tpu.dma_semaphore, #tpu.memory_space<semaphore_mem>>
      %dma_start3A = arith.constant 0 : i32
      %dma_start3A_15 = tpu.memref_slice %arg6[%arg0, %mul3A_14, %dma_start3A] : memref<2x10112x128xf32, #tpu.memory_space<hbm>> -> memref<1x632x128xf32, #tpu.memory_space<hbm>>
      %dma_start3A_16 = tpu.memref_squeeze %dma_start3A_15 : memref<1x632x128xf32, #tpu.memory_space<hbm>> -> memref<632x128xf32, #tpu.memory_space<hbm>>
      %dma_start3A_17 = arith.constant 0 : i32
      %dma_start3A_18 = tpu.memref_slice %arg10[%mul3A_12, %dma_start3A_17] : memref<10112x128xf32, #tpu.memory_space<vmem_shared>> -> memref<632x128xf32, #tpu.memory_space<vmem_shared>>
      tpu.enqueue_dma source(%dma_start3A_18 : memref<632x128xf32, #tpu.memory_space<vmem_shared>>) target(%dma_start3A_16 : memref<632x128xf32, #tpu.memory_space<hbm>>) target_semaphore(%run_scoped3A : memref<!tpu.dma_semaphore, #tpu.memory_space<semaphore_mem>>)
      %dma_wait3A = arith.constant 0 : i32
      %dma_wait3A_19 = tpu.memref_slice %arg6[%arg0, %mul3A_14, %dma_wait3A] : memref<2x10112x128xf32, #tpu.memory_space<hbm>> -> memref<1x632x128xf32, #tpu.memory_space<hbm>>
      %dma_wait3A_20 = tpu.memref_squeeze %dma_wait3A_19 : memref<1x632x128xf32, #tpu.memory_space<hbm>> -> memref<632x128xf32, #tpu.memory_space<hbm>>
      %dma_wait3A_21 = arith.constant 0 : i32
      %dma_wait3A_22 = tpu.memref_slice %arg10[%mul3A_12, %dma_wait3A_21] : memref<10112x128xf32, #tpu.memory_space<vmem_shared>> -> memref<632x128xf32, #tpu.memory_space<vmem_shared>>
      tpu.wait_dma2 semaphore(%run_scoped3A : memref<!tpu.dma_semaphore, #tpu.memory_space<semaphore_mem>>) src(%dma_wait3A_22 : memref<632x128xf32, #tpu.memory_space<vmem_shared>>) dst(%dma_wait3A_20 : memref<632x128xf32, #tpu.memory_space<hbm>>)
      tpu.yield
    }) : () -> ()
    return
  }
}

#map = affine_map<(d0, d1) -> (0, 0)>
#map1 = affine_map<(d0, d1) -> (0, 0, 0)>
module attributes {stable_mosaic.version = 14 : i64} {
  func.func @_agg_body(%arg0: i32, %arg1: i32, %arg2: memref<10000x128xf32, #tpu.memory_space<hbm>>, %arg3: memref<32x125x80xi32, #tpu.memory_space<hbm>>, %arg4: memref<32x125x80xi32, #tpu.memory_space<hbm>>, %arg5: memref<10112x128xf32, #tpu.memory_space<hbm>>, %arg6: memref<2x10112x128xf32, #tpu.memory_space<hbm>>, %arg7: memref<125x80xi32, #tpu.memory_space<vmem>>, %arg8: memref<125x80xi32, #tpu.memory_space<vmem>>, %arg9: memref<80x128xf32, #tpu.memory_space<vmem>>, %arg10: memref<10112x128xf32, #tpu.memory_space<vmem_shared>>, %arg11: memref<!tpu.dma_semaphore, #tpu.memory_space<semaphore_mem>>) attributes {dimension_semantics = [#tpu.dimension_semantics<core_parallel>, #tpu.dimension_semantics<subcore_parallel>], iteration_bounds = array<i64: 2, 16>, scalar_prefetch = 0 : i64, scratch_operands = 5 : i64, tpu.core_type = #tpu.core_type<sc_vector_subcore>, window_params = [{transform_indices = #map}, {transform_indices = #map1}, {transform_indices = #map1}, {transform_indices = #map}, {transform_indices = #map1}]} {
    %mul3A = arith.constant 2 : i32
    %mul3A_0 = arith.muli %arg1, %mul3A : i32
    %add3A = arith.addi %mul3A_0, %arg0 : i32
    %mul3A_1 = arith.constant 632 : i32
    %mul3A_2 = arith.muli %arg1, %mul3A_1 : i32
    %mul3A_3 = arith.constant 632 : i32
    %mul3A_4 = arith.muli %arg1, %mul3A_3 : i32
    "tpu.region"() ({
      %run_scoped3A = tpu.sem_alloc : memref<!tpu.dma_semaphore, #tpu.memory_space<semaphore_mem>>
      %dma_start3A = arith.constant 0 : i32
      %dma_start3A_15 = tpu.memref_slice %arg10[%mul3A_4, %dma_start3A] : memref<10112x128xf32, #tpu.memory_space<vmem_shared>> -> memref<632x128xf32, #tpu.memory_space<vmem_shared>>
      %dma_start3A_16 = arith.constant 0 : i32
      %dma_start3A_17 = tpu.memref_slice %arg5[%mul3A_2, %dma_start3A_16] : memref<10112x128xf32, #tpu.memory_space<hbm>> -> memref<632x128xf32, #tpu.memory_space<hbm>>
      tpu.enqueue_dma source(%dma_start3A_17 : memref<632x128xf32, #tpu.memory_space<hbm>>) target(%dma_start3A_15 : memref<632x128xf32, #tpu.memory_space<vmem_shared>>) target_semaphore(%run_scoped3A : memref<!tpu.dma_semaphore, #tpu.memory_space<semaphore_mem>>)
      %dma_wait3A = arith.constant 0 : i32
      %dma_wait3A_18 = tpu.memref_slice %arg10[%mul3A_4, %dma_wait3A] : memref<10112x128xf32, #tpu.memory_space<vmem_shared>> -> memref<632x128xf32, #tpu.memory_space<vmem_shared>>
      %dma_wait3A_19 = arith.constant 0 : i32
      %dma_wait3A_20 = tpu.memref_slice %arg5[%mul3A_2, %dma_wait3A_19] : memref<10112x128xf32, #tpu.memory_space<hbm>> -> memref<632x128xf32, #tpu.memory_space<hbm>>
      tpu.wait_dma2 semaphore(%run_scoped3A : memref<!tpu.dma_semaphore, #tpu.memory_space<semaphore_mem>>) src(%dma_wait3A_20 : memref<632x128xf32, #tpu.memory_space<hbm>>) dst(%dma_wait3A_18 : memref<632x128xf32, #tpu.memory_space<vmem_shared>>)
      tpu.yield
    }) : () -> ()
    "tpu.region"() ({
      %run_scoped3A = tpu.sem_alloc : memref<!tpu.dma_semaphore, #tpu.memory_space<semaphore_mem>>
      %dma_start3A = arith.constant 0 : i32
      %dma_start3A_15 = arith.constant 0 : i32
      %dma_start3A_16 = tpu.memref_slice %arg3[%add3A, %dma_start3A, %dma_start3A_15] : memref<32x125x80xi32, #tpu.memory_space<hbm>> -> memref<1x125x80xi32, #tpu.memory_space<hbm>>
      %dma_start3A_17 = tpu.memref_squeeze %dma_start3A_16 : memref<1x125x80xi32, #tpu.memory_space<hbm>> -> memref<125x80xi32, #tpu.memory_space<hbm>>
      %dma_start3A_18 = arith.constant 0 : i32
      %dma_start3A_19 = arith.constant 0 : i32
      %dma_start3A_20 = tpu.memref_slice %arg3[%add3A, %dma_start3A_18, %dma_start3A_19] : memref<32x125x80xi32, #tpu.memory_space<hbm>> -> memref<1x125x80xi32, #tpu.memory_space<hbm>>
      %dma_start3A_21 = tpu.memref_squeeze %dma_start3A_20 : memref<1x125x80xi32, #tpu.memory_space<hbm>> -> memref<125x80xi32, #tpu.memory_space<hbm>>
      tpu.enqueue_dma source(%dma_start3A_21 : memref<125x80xi32, #tpu.memory_space<hbm>>) target(%arg7 : memref<125x80xi32, #tpu.memory_space<vmem>>) target_semaphore(%run_scoped3A : memref<!tpu.dma_semaphore, #tpu.memory_space<semaphore_mem>>)
      %dma_wait3A = arith.constant 0 : i32
      %dma_wait3A_22 = arith.constant 0 : i32
      %dma_wait3A_23 = tpu.memref_slice %arg3[%add3A, %dma_wait3A, %dma_wait3A_22] : memref<32x125x80xi32, #tpu.memory_space<hbm>> -> memref<1x125x80xi32, #tpu.memory_space<hbm>>
      %dma_wait3A_24 = tpu.memref_squeeze %dma_wait3A_23 : memref<1x125x80xi32, #tpu.memory_space<hbm>> -> memref<125x80xi32, #tpu.memory_space<hbm>>
      %dma_wait3A_25 = arith.constant 0 : i32
      %dma_wait3A_26 = arith.constant 0 : i32
      %dma_wait3A_27 = tpu.memref_slice %arg3[%add3A, %dma_wait3A_25, %dma_wait3A_26] : memref<32x125x80xi32, #tpu.memory_space<hbm>> -> memref<1x125x80xi32, #tpu.memory_space<hbm>>
      %dma_wait3A_28 = tpu.memref_squeeze %dma_wait3A_27 : memref<1x125x80xi32, #tpu.memory_space<hbm>> -> memref<125x80xi32, #tpu.memory_space<hbm>>
      tpu.wait_dma2 semaphore(%run_scoped3A : memref<!tpu.dma_semaphore, #tpu.memory_space<semaphore_mem>>) src(%dma_wait3A_28 : memref<125x80xi32, #tpu.memory_space<hbm>>) dst(%arg7 : memref<125x80xi32, #tpu.memory_space<vmem>>)
      tpu.yield
    }) : () -> ()
    "tpu.region"() ({
      %run_scoped3A = tpu.sem_alloc : memref<!tpu.dma_semaphore, #tpu.memory_space<semaphore_mem>>
      %dma_start3A = arith.constant 0 : i32
      %dma_start3A_15 = arith.constant 0 : i32
      %dma_start3A_16 = tpu.memref_slice %arg4[%add3A, %dma_start3A, %dma_start3A_15] : memref<32x125x80xi32, #tpu.memory_space<hbm>> -> memref<1x125x80xi32, #tpu.memory_space<hbm>>
      %dma_start3A_17 = tpu.memref_squeeze %dma_start3A_16 : memref<1x125x80xi32, #tpu.memory_space<hbm>> -> memref<125x80xi32, #tpu.memory_space<hbm>>
      %dma_start3A_18 = arith.constant 0 : i32
      %dma_start3A_19 = arith.constant 0 : i32
      %dma_start3A_20 = tpu.memref_slice %arg4[%add3A, %dma_start3A_18, %dma_start3A_19] : memref<32x125x80xi32, #tpu.memory_space<hbm>> -> memref<1x125x80xi32, #tpu.memory_space<hbm>>
      %dma_start3A_21 = tpu.memref_squeeze %dma_start3A_20 : memref<1x125x80xi32, #tpu.memory_space<hbm>> -> memref<125x80xi32, #tpu.memory_space<hbm>>
      tpu.enqueue_dma source(%dma_start3A_21 : memref<125x80xi32, #tpu.memory_space<hbm>>) target(%arg8 : memref<125x80xi32, #tpu.memory_space<vmem>>) target_semaphore(%run_scoped3A : memref<!tpu.dma_semaphore, #tpu.memory_space<semaphore_mem>>)
      %dma_wait3A = arith.constant 0 : i32
      %dma_wait3A_22 = arith.constant 0 : i32
      %dma_wait3A_23 = tpu.memref_slice %arg4[%add3A, %dma_wait3A, %dma_wait3A_22] : memref<32x125x80xi32, #tpu.memory_space<hbm>> -> memref<1x125x80xi32, #tpu.memory_space<hbm>>
      %dma_wait3A_24 = tpu.memref_squeeze %dma_wait3A_23 : memref<1x125x80xi32, #tpu.memory_space<hbm>> -> memref<125x80xi32, #tpu.memory_space<hbm>>
      %dma_wait3A_25 = arith.constant 0 : i32
      %dma_wait3A_26 = arith.constant 0 : i32
      %dma_wait3A_27 = tpu.memref_slice %arg4[%add3A, %dma_wait3A_25, %dma_wait3A_26] : memref<32x125x80xi32, #tpu.memory_space<hbm>> -> memref<1x125x80xi32, #tpu.memory_space<hbm>>
      %dma_wait3A_28 = tpu.memref_squeeze %dma_wait3A_27 : memref<1x125x80xi32, #tpu.memory_space<hbm>> -> memref<125x80xi32, #tpu.memory_space<hbm>>
      tpu.wait_dma2 semaphore(%run_scoped3A : memref<!tpu.dma_semaphore, #tpu.memory_space<semaphore_mem>>) src(%dma_wait3A_28 : memref<125x80xi32, #tpu.memory_space<hbm>>) dst(%arg8 : memref<125x80xi32, #tpu.memory_space<vmem>>)
      tpu.yield
    }) : () -> ()
    %barrier3A = arith.constant 0 : index
    tpu.barrier barrier_id(%barrier3A)
    %scan3A = arith.constant 0 : i32
    %scan3A_5 = arith.constant 0 : i32
    %scan3A_6 = arith.constant 125 : i32
    %scan3A_7 = arith.addi %scan3A_5, %scan3A_6 : i32
    %scan3A_8 = arith.constant 1 : i32
    scf.for %scan3A_15 = %scan3A_5 to %scan3A_7 step %scan3A_8  : i32 {
      %dma_start3A = arith.constant 0 : i32
      %dma_start3A_16 = tpu.memref_slice %arg7[%scan3A_15, %dma_start3A] : memref<125x80xi32, #tpu.memory_space<vmem>> -> memref<1x80xi32, #tpu.memory_space<vmem>>
      %dma_start3A_17 = tpu.memref_squeeze %dma_start3A_16 : memref<1x80xi32, #tpu.memory_space<vmem>> -> memref<80xi32, #tpu.memory_space<vmem>>
      %dma_start3A_18 = arith.constant 0 : i32
      %dma_start3A_19 = arith.constant 0 : i32
      %dma_start3A_20 = tpu.memref_slice %arg2[%dma_start3A_18, %dma_start3A_19] : memref<10000x128xf32, #tpu.memory_space<hbm>> -> memref<10000x128xf32, #tpu.memory_space<hbm>>
      tpu.enqueue_indirect_dma source(%dma_start3A_20 : memref<10000x128xf32, #tpu.memory_space<hbm>>) target(%arg9 : memref<80x128xf32, #tpu.memory_space<vmem>>) offsets(%dma_start3A_17 : memref<80xi32, #tpu.memory_space<vmem>>) semaphore(%arg11 : memref<!tpu.dma_semaphore, #tpu.memory_space<semaphore_mem>>)
      %dma_wait3A = arith.constant 0 : i32
      %dma_wait3A_21 = tpu.memref_slice %arg7[%scan3A_15, %dma_wait3A] : memref<125x80xi32, #tpu.memory_space<vmem>> -> memref<1x80xi32, #tpu.memory_space<vmem>>
      %dma_wait3A_22 = tpu.memref_squeeze %dma_wait3A_21 : memref<1x80xi32, #tpu.memory_space<vmem>> -> memref<80xi32, #tpu.memory_space<vmem>>
      %dma_wait3A_23 = arith.constant 0 : i32
      %dma_wait3A_24 = arith.constant 0 : i32
      %dma_wait3A_25 = tpu.memref_slice %arg2[%dma_wait3A_23, %dma_wait3A_24] : memref<10000x128xf32, #tpu.memory_space<hbm>> -> memref<10000x128xf32, #tpu.memory_space<hbm>>
      tpu.wait_indirect_dma semaphore(%arg11 : memref<!tpu.dma_semaphore, #tpu.memory_space<semaphore_mem>>) src(%dma_wait3A_25 : memref<10000x128xf32, #tpu.memory_space<hbm>>) dst(%arg9 : memref<80x128xf32, #tpu.memory_space<vmem>>)
      "tpu.region"() ({
        %run_scoped3A = tpu.sem_alloc : memref<!tpu.dma_semaphore, #tpu.memory_space<semaphore_mem>>
        %dma_start3A_26 = arith.constant 0 : i32
        %dma_start3A_27 = tpu.memref_slice %arg8[%scan3A_15, %dma_start3A_26] : memref<125x80xi32, #tpu.memory_space<vmem>> -> memref<1x80xi32, #tpu.memory_space<vmem>>
        %dma_start3A_28 = tpu.memref_squeeze %dma_start3A_27 : memref<1x80xi32, #tpu.memory_space<vmem>> -> memref<80xi32, #tpu.memory_space<vmem>>
        %dma_start3A_29 = arith.constant 0 : i32
        %dma_start3A_30 = arith.constant 0 : i32
        %dma_start3A_31 = tpu.memref_slice %arg10[%dma_start3A_29, %dma_start3A_30] : memref<10112x128xf32, #tpu.memory_space<vmem_shared>> -> memref<10112x128xf32, #tpu.memory_space<vmem_shared>>
        tpu.enqueue_indirect_dma source(%arg9 : memref<80x128xf32, #tpu.memory_space<vmem>>) target(%dma_start3A_31 : memref<10112x128xf32, #tpu.memory_space<vmem_shared>>) offsets(%dma_start3A_28 : memref<80xi32, #tpu.memory_space<vmem>>) semaphore(%run_scoped3A : memref<!tpu.dma_semaphore, #tpu.memory_space<semaphore_mem>>) {add = true}
        %dma_wait3A_32 = arith.constant 0 : i32
        %dma_wait3A_33 = tpu.memref_slice %arg8[%scan3A_15, %dma_wait3A_32] : memref<125x80xi32, #tpu.memory_space<vmem>> -> memref<1x80xi32, #tpu.memory_space<vmem>>
        %dma_wait3A_34 = tpu.memref_squeeze %dma_wait3A_33 : memref<1x80xi32, #tpu.memory_space<vmem>> -> memref<80xi32, #tpu.memory_space<vmem>>
        %dma_wait3A_35 = arith.constant 0 : i32
        %dma_wait3A_36 = arith.constant 0 : i32
        %dma_wait3A_37 = tpu.memref_slice %arg10[%dma_wait3A_35, %dma_wait3A_36] : memref<10112x128xf32, #tpu.memory_space<vmem_shared>> -> memref<10112x128xf32, #tpu.memory_space<vmem_shared>>
        tpu.wait_indirect_dma semaphore(%run_scoped3A : memref<!tpu.dma_semaphore, #tpu.memory_space<semaphore_mem>>) src(%arg9 : memref<80x128xf32, #tpu.memory_space<vmem>>) dst(%dma_wait3A_37 : memref<10112x128xf32, #tpu.memory_space<vmem_shared>>)
        tpu.yield
      }) : () -> ()
    }
    %scan3A_9 = arith.constant 125 : i32
    %barrier3A_10 = arith.constant 0 : index
    tpu.barrier barrier_id(%barrier3A_10)
    %mul3A_11 = arith.constant 632 : i32
    %mul3A_12 = arith.muli %arg1, %mul3A_11 : i32
    %mul3A_13 = arith.constant 632 : i32
    %mul3A_14 = arith.muli %arg1, %mul3A_13 : i32
    "tpu.region"() ({
      %run_scoped3A = tpu.sem_alloc : memref<!tpu.dma_semaphore, #tpu.memory_space<semaphore_mem>>
      %dma_start3A = arith.constant 0 : i32
      %dma_start3A_15 = tpu.memref_slice %arg6[%arg0, %mul3A_14, %dma_start3A] : memref<2x10112x128xf32, #tpu.memory_space<hbm>> -> memref<1x632x128xf32, #tpu.memory_space<hbm>>
      %dma_start3A_16 = tpu.memref_squeeze %dma_start3A_15 : memref<1x632x128xf32, #tpu.memory_space<hbm>> -> memref<632x128xf32, #tpu.memory_space<hbm>>
      %dma_start3A_17 = arith.constant 0 : i32
      %dma_start3A_18 = tpu.memref_slice %arg10[%mul3A_12, %dma_start3A_17] : memref<10112x128xf32, #tpu.memory_space<vmem_shared>> -> memref<632x128xf32, #tpu.memory_space<vmem_shared>>
      tpu.enqueue_dma source(%dma_start3A_18 : memref<632x128xf32, #tpu.memory_space<vmem_shared>>) target(%dma_start3A_16 : memref<632x128xf32, #tpu.memory_space<hbm>>) target_semaphore(%run_scoped3A : memref<!tpu.dma_semaphore, #tpu.memory_space<semaphore_mem>>)
      %dma_wait3A = arith.constant 0 : i32
      %dma_wait3A_19 = tpu.memref_slice %arg6[%arg0, %mul3A_14, %dma_wait3A] : memref<2x10112x128xf32, #tpu.memory_space<hbm>> -> memref<1x632x128xf32, #tpu.memory_space<hbm>>
      %dma_wait3A_20 = tpu.memref_squeeze %dma_wait3A_19 : memref<1x632x128xf32, #tpu.memory_space<hbm>> -> memref<632x128xf32, #tpu.memory_space<hbm>>
      %dma_wait3A_21 = arith.constant 0 : i32
      %dma_wait3A_22 = tpu.memref_slice %arg10[%mul3A_12, %dma_wait3A_21] : memref<10112x128xf32, #tpu.memory_space<vmem_shared>> -> memref<632x128xf32, #tpu.memory_space<vmem_shared>>
      tpu.wait_dma2 semaphore(%run_scoped3A : memref<!tpu.dma_semaphore, #tpu.memory_space<semaphore_mem>>) src(%dma_wait3A_22 : memref<632x128xf32, #tpu.memory_space<vmem_shared>>) dst(%dma_wait3A_20 : memref<632x128xf32, #tpu.memory_space<hbm>>)
      tpu.yield
    }) : () -> ()
    return
  }
}

module attributes {stable_mosaic.version = 14 : i64} {
  func.func @_mlp_body(%arg0: i32, %arg1: memref<2000x128xf32, #tpu.memory_space<vmem>>, %arg2: memref<1x2000x128xf32, #tpu.memory_space<vmem>>, %arg3: memref<1x2000x128xf32, #tpu.memory_space<vmem>>, %arg4: memref<128x128xf32, #tpu.memory_space<vmem>>, %arg5: memref<1x128xf32, #tpu.memory_space<vmem>>, %arg6: memref<1x128xf32, #tpu.memory_space<vmem>>, %arg7: memref<128x128xf32, #tpu.memory_space<vmem>>, %arg8: memref<1x128xf32, #tpu.memory_space<vmem>>, %arg9: memref<2000x128xf32, #tpu.memory_space<vmem>>) attributes {dimension_semantics = [#tpu.dimension_semantics<arbitrary>], iteration_bounds = array<i64: 5>, scalar_prefetch = 0 : i64, scratch_operands = 0 : i64, tpu.core_type = #tpu.core_type<tc>, window_params = [{transform_indices = @transform_0, window_bounds = array<i64: 2000, 128>}, {transform_indices = @transform_1, window_bounds = array<i64: 1, 2000, 128>}, {transform_indices = @transform_2, window_bounds = array<i64: 1, 2000, 128>}, {pipeline_mode = #tpu.pipeline_mode<synchronous>, transform_indices = @transform_3, window_bounds = array<i64: 128, 128>}, {pipeline_mode = #tpu.pipeline_mode<synchronous>, transform_indices = @transform_4, window_bounds = array<i64: 1, 128>}, {pipeline_mode = #tpu.pipeline_mode<synchronous>, transform_indices = @transform_5, window_bounds = array<i64: 1, 128>}, {pipeline_mode = #tpu.pipeline_mode<synchronous>, transform_indices = @transform_6, window_bounds = array<i64: 128, 128>}, {pipeline_mode = #tpu.pipeline_mode<synchronous>, transform_indices = @transform_7, window_bounds = array<i64: 1, 128>}, {transform_indices = @transform_8, window_bounds = array<i64: 2000, 128>}]} {
    %get3A = arith.constant 0 : index
    %get3A_0 = arith.constant 0 : index
    %get3A_1 = vector.load %arg1[%get3A, %get3A_0] : memref<2000x128xf32, #tpu.memory_space<vmem>>, vector<2000x128xf32>
    %get3A_2 = arith.constant 0 : index
    %get3A_3 = arith.constant 0 : index
    %get3A_4 = arith.constant 0 : index
    %get3A_5 = vector.load %arg2[%get3A_2, %get3A_3, %get3A_4] : memref<1x2000x128xf32, #tpu.memory_space<vmem>>, vector<1x2000x128xf32>
    %get3A_6 = vector.shape_cast %get3A_5 : vector<1x2000x128xf32> to vector<2000x128xf32>
    %add3A = arith.addf %get3A_1, %get3A_6 : vector<2000x128xf32>
    %get3A_7 = arith.constant 0 : index
    %get3A_8 = arith.constant 0 : index
    %get3A_9 = arith.constant 0 : index
    %get3A_10 = vector.load %arg3[%get3A_7, %get3A_8, %get3A_9] : memref<1x2000x128xf32, #tpu.memory_space<vmem>>, vector<1x2000x128xf32>
    %get3A_11 = vector.shape_cast %get3A_10 : vector<1x2000x128xf32> to vector<2000x128xf32>
    %add3A_12 = arith.addf %add3A, %get3A_11 : vector<2000x128xf32>
    %get3A_13 = arith.constant 0 : index
    %get3A_14 = arith.constant 0 : index
    %get3A_15 = vector.load %arg4[%get3A_13, %get3A_14] : memref<128x128xf32, #tpu.memory_space<vmem>>, vector<128x128xf32>
    %dot_general3A = arith.constant dense<0.000000e+00> : vector<2000x128xf32>
    %dot_general3A_16 = tpu.matmul %add3A_12, %get3A_15, %dot_general3A {dimension_numbers = #tpu.dot_dimension_numbers<[1], [0], [0], [1], [0, 0, 1, 1], [], []>, precision = #tpu.contract_precision<fp32>, transpose_lhs_hint = false} : vector<2000x128xf32>, vector<128x128xf32>, vector<2000x128xf32> -> vector<2000x128xf32>
    %get3A_17 = arith.constant 0 : index
    %get3A_18 = arith.constant 0 : index
    %get3A_19 = vector.load %arg5[%get3A_17, %get3A_18] : memref<1x128xf32, #tpu.memory_space<vmem>>, vector<1x128xf32>
    %mul3A = vector.broadcast %get3A_19 : vector<1x128xf32> to vector<2000x128xf32>
    %mul3A_20 = arith.mulf %dot_general3A_16, %mul3A : vector<2000x128xf32>
    %get3A_21 = arith.constant 0 : index
    %get3A_22 = arith.constant 0 : index
    %get3A_23 = vector.load %arg6[%get3A_21, %get3A_22] : memref<1x128xf32, #tpu.memory_space<vmem>>, vector<1x128xf32>
    %add3A_24 = vector.broadcast %get3A_23 : vector<1x128xf32> to vector<2000x128xf32>
    %add3A_25 = arith.addf %mul3A_20, %add3A_24 : vector<2000x128xf32>
    %max3A = arith.constant 0.000000e+00 : f32
    %max3A_26 = vector.broadcast %max3A : f32 to vector<2000x128xf32>
    %max3A_27 = arith.maximumf %add3A_25, %max3A_26 : vector<2000x128xf32>
    %get3A_28 = arith.constant 0 : index
    %get3A_29 = arith.constant 0 : index
    %get3A_30 = vector.load %arg7[%get3A_28, %get3A_29] : memref<128x128xf32, #tpu.memory_space<vmem>>, vector<128x128xf32>
    %dot_general3A_31 = arith.constant dense<0.000000e+00> : vector<2000x128xf32>
    %dot_general3A_32 = tpu.matmul %max3A_27, %get3A_30, %dot_general3A_31 {dimension_numbers = #tpu.dot_dimension_numbers<[1], [0], [0], [1], [0, 0, 1, 1], [], []>, precision = #tpu.contract_precision<fp32>, transpose_lhs_hint = false} : vector<2000x128xf32>, vector<128x128xf32>, vector<2000x128xf32> -> vector<2000x128xf32>
    %get3A_33 = arith.constant 0 : index
    %get3A_34 = arith.constant 0 : index
    %get3A_35 = vector.load %arg8[%get3A_33, %get3A_34] : memref<1x128xf32, #tpu.memory_space<vmem>>, vector<1x128xf32>
    %add3A_36 = vector.broadcast %get3A_35 : vector<1x128xf32> to vector<2000x128xf32>
    %add3A_37 = arith.addf %dot_general3A_32, %add3A_36 : vector<2000x128xf32>
    %max3A_38 = arith.constant 0.000000e+00 : f32
    %max3A_39 = vector.broadcast %max3A_38 : f32 to vector<2000x128xf32>
    %max3A_40 = arith.maximumf %add3A_37, %max3A_39 : vector<2000x128xf32>
    %swap3A = arith.constant 0 : index
    %swap3A_41 = arith.constant 0 : index
    %swap3A_42 = vector.load %arg9[%swap3A, %swap3A_41] : memref<2000x128xf32, #tpu.memory_space<vmem>>, vector<2000x128xf32>
    tpu.vector_store %arg9[%swap3A, %swap3A_41], %max3A_40 {strides = array<i32>} : memref<2000x128xf32, #tpu.memory_space<vmem>>, vector<2000x128xf32>,
    return
  }
  func.func @transform_0(%arg0: i32) -> (i32, i32) {
    %c0_i32 = arith.constant 0 : i32
    %c0_i32_0 = arith.constant 0 : i32
    return %arg0, %c0_i32 : i32, i32
  }
  func.func @transform_1(%arg0: i32) -> (i32, i32, i32) {
    %c0_i32 = arith.constant 0 : i32
    %c0_i32_0 = arith.constant 0 : i32
    %c0_i32_1 = arith.constant 0 : i32
    return %c0_i32, %arg0, %c0_i32_0 : i32, i32, i32
  }
  func.func @transform_2(%arg0: i32) -> (i32, i32, i32) {
    %c1_i32 = arith.constant 1 : i32
    %c0_i32 = arith.constant 0 : i32
    %c0_i32_0 = arith.constant 0 : i32
    return %c1_i32, %arg0, %c0_i32 : i32, i32, i32
  }
  func.func @transform_3(%arg0: i32) -> (i32, i32) {
    %c0_i32 = arith.constant 0 : i32
    %c0_i32_0 = arith.constant 0 : i32
    %c0_i32_1 = arith.constant 0 : i32
    return %c0_i32, %c0_i32_0 : i32, i32
  }
  func.func @transform_4(%arg0: i32) -> (i32, i32) {
    %c0_i32 = arith.constant 0 : i32
    %c0_i32_0 = arith.constant 0 : i32
    %c0_i32_1 = arith.constant 0 : i32
    return %c0_i32, %c0_i32_0 : i32, i32
  }
  func.func @transform_5(%arg0: i32) -> (i32, i32) {
    %c0_i32 = arith.constant 0 : i32
    %c0_i32_0 = arith.constant 0 : i32
    %c0_i32_1 = arith.constant 0 : i32
    return %c0_i32, %c0_i32_0 : i32, i32
  }
  func.func @transform_6(%arg0: i32) -> (i32, i32) {
    %c0_i32 = arith.constant 0 : i32
    %c0_i32_0 = arith.constant 0 : i32
    %c0_i32_1 = arith.constant 0 : i32
    return %c0_i32, %c0_i32_0 : i32, i32
  }
  func.func @transform_7(%arg0: i32) -> (i32, i32) {
    %c0_i32 = arith.constant 0 : i32
    %c0_i32_0 = arith.constant 0 : i32
    %c0_i32_1 = arith.constant 0 : i32
    return %c0_i32, %c0_i32_0 : i32, i32
  }
  func.func @transform_8(%arg0: i32) -> (i32, i32) {
    %c0_i32 = arith.constant 0 : i32
    %c0_i32_0 = arith.constant 0 : i32
    return %arg0, %c0_i32 : i32, i32
  }
}

module attributes {stable_mosaic.version = 14 : i64} {
  func.func @_head_body(%arg0: memref<10000x128xf32, #tpu.memory_space<vmem>>, %arg1: memref<10000x128xf32, #tpu.memory_space<vmem>>, %arg2: memref<10000x128xf32, #tpu.memory_space<vmem>>, %arg3: memref<1x10000xi32, #tpu.memory_space<vmem>>, %arg4: memref<384x1152xf32, #tpu.memory_space<vmem>>, %arg5: memref<1x1152xf32, #tpu.memory_space<vmem>>, %arg6: memref<384x384xf32, #tpu.memory_space<vmem>>, %arg7: memref<1x384xf32, #tpu.memory_space<vmem>>, %arg8: memref<384x2048xf32, #tpu.memory_space<vmem>>, %arg9: memref<1x2048xf32, #tpu.memory_space<vmem>>, %arg10: memref<2048x384xf32, #tpu.memory_space<vmem>>, %arg11: memref<1x384xf32, #tpu.memory_space<vmem>>, %arg12: memref<1x384xf32, #tpu.memory_space<vmem>>, %arg13: memref<1x384xf32, #tpu.memory_space<vmem>>, %arg14: memref<1x384xf32, #tpu.memory_space<vmem>>, %arg15: memref<1x384xf32, #tpu.memory_space<vmem>>, %arg16: memref<384x128xf32, #tpu.memory_space<vmem>>, %arg17: memref<1x128xf32, #tpu.memory_space<vmem>>, %arg18: memref<128x1xf32, #tpu.memory_space<vmem>>, %arg19: memref<1x1xf32, #tpu.memory_space<vmem>>, %arg20: memref<1x1xf32, #tpu.memory_space<vmem>>) attributes {dimension_semantics = [], scalar_prefetch = 0 : i64, scratch_operands = 0 : i64, tpu.core_type = #tpu.core_type<tc>} {
    %iota3A = tpu.iota {dimensions = array<i32: 0>} : vector<64x1xi32>
    %get3A = arith.constant 0 : index
    %get3A_0 = arith.constant 0 : index
    %get3A_1 = vector.load %arg3[%get3A, %get3A_0] : memref<1x10000xi32, #tpu.memory_space<vmem>>, vector<1x10000xi32>
    %eq3A = vector.broadcast %get3A_1 : vector<1x10000xi32> to vector<64x10000xi32>
    %eq3A_2 = vector.broadcast %iota3A : vector<64x1xi32> to vector<64x10000xi32>
    %eq3A_3 = arith.cmpi eq, %eq3A, %eq3A_2 : vector<64x10000xi32>
    %convert_element_type3A = arith.extui %eq3A_3 : vector<64x10000xi1> to vector<64x10000xi32>
    %convert_element_type3A_4 = arith.sitofp %convert_element_type3A : vector<64x10000xi32> to vector<64x10000xf32>
    %get3A_5 = arith.constant 0 : index
    %get3A_6 = arith.constant 0 : index
    %get3A_7 = vector.load %arg0[%get3A_5, %get3A_6] : memref<10000x128xf32, #tpu.memory_space<vmem>>, vector<10000x128xf32>
    %dot_general3A = arith.constant dense<0.000000e+00> : vector<64x128xf32>
    %dot_general3A_8 = tpu.matmul %convert_element_type3A_4, %get3A_7, %dot_general3A {dimension_numbers = #tpu.dot_dimension_numbers<[1], [0], [0], [1], [0, 0, 1, 1], [], []>, precision = #tpu.contract_precision<fp32>, transpose_lhs_hint = false} : vector<64x10000xf32>, vector<10000x128xf32>, vector<64x128xf32> -> vector<64x128xf32>
    %get3A_9 = arith.constant 0 : index
    %get3A_10 = arith.constant 0 : index
    %get3A_11 = vector.load %arg1[%get3A_9, %get3A_10] : memref<10000x128xf32, #tpu.memory_space<vmem>>, vector<10000x128xf32>
    %dot_general3A_12 = arith.constant dense<0.000000e+00> : vector<64x128xf32>
    %dot_general3A_13 = tpu.matmul %convert_element_type3A_4, %get3A_11, %dot_general3A_12 {dimension_numbers = #tpu.dot_dimension_numbers<[1], [0], [0], [1], [0, 0, 1, 1], [], []>, precision = #tpu.contract_precision<fp32>, transpose_lhs_hint = false} : vector<64x10000xf32>, vector<10000x128xf32>, vector<64x128xf32> -> vector<64x128xf32>
    %get3A_14 = arith.constant 0 : index
    %get3A_15 = arith.constant 0 : index
    %get3A_16 = vector.load %arg2[%get3A_14, %get3A_15] : memref<10000x128xf32, #tpu.memory_space<vmem>>, vector<10000x128xf32>
    %dot_general3A_17 = arith.constant dense<0.000000e+00> : vector<64x128xf32>
    %dot_general3A_18 = tpu.matmul %convert_element_type3A_4, %get3A_16, %dot_general3A_17 {dimension_numbers = #tpu.dot_dimension_numbers<[1], [0], [0], [1], [0, 0, 1, 1], [], []>, precision = #tpu.contract_precision<fp32>, transpose_lhs_hint = false} : vector<64x10000xf32>, vector<10000x128xf32>, vector<64x128xf32> -> vector<64x128xf32>
    %concatenate3A = tpu.concatenate %dot_general3A_8, %dot_general3A_13, %dot_general3A_18 in 1 : vector<64x128xf32>, vector<64x128xf32>, vector<64x128xf32> -> vector<64x384xf32>
    %get3A_19 = arith.constant 0 : index
    %get3A_20 = arith.constant 0 : index
    %get3A_21 = vector.load %arg4[%get3A_19, %get3A_20] : memref<384x1152xf32, #tpu.memory_space<vmem>>, vector<384x1152xf32>
    %dot_general3A_22 = arith.constant dense<0.000000e+00> : vector<64x1152xf32>
    %dot_general3A_23 = tpu.matmul %concatenate3A, %get3A_21, %dot_general3A_22 {dimension_numbers = #tpu.dot_dimension_numbers<[1], [0], [0], [1], [0, 0, 1, 1], [], []>, precision = #tpu.contract_precision<fp32>, transpose_lhs_hint = false} : vector<64x384xf32>, vector<384x1152xf32>, vector<64x1152xf32> -> vector<64x1152xf32>
    %get3A_24 = arith.constant 0 : index
    %get3A_25 = arith.constant 0 : index
    %get3A_26 = vector.load %arg5[%get3A_24, %get3A_25] : memref<1x1152xf32, #tpu.memory_space<vmem>>, vector<1x1152xf32>
    %add3A = vector.broadcast %get3A_26 : vector<1x1152xf32> to vector<64x1152xf32>
    %add3A_27 = arith.addf %dot_general3A_23, %add3A : vector<64x1152xf32>
    %slice3A = vector.extract_strided_slice %add3A_27 {offsets = [0, 0], sizes = [64, 48], strides = [1, 1]} : vector<64x1152xf32> to vector<64x48xf32>
    %slice3A_28 = vector.extract_strided_slice %add3A_27 {offsets = [0, 384], sizes = [64, 48], strides = [1, 1]} : vector<64x1152xf32> to vector<64x48xf32>
    %slice3A_29 = vector.extract_strided_slice %add3A_27 {offsets = [0, 768], sizes = [64, 48], strides = [1, 1]} : vector<64x1152xf32> to vector<64x48xf32>
    %dot_general3A_30 = arith.constant dense<0.000000e+00> : vector<64x64xf32>
    %dot_general3A_31 = tpu.matmul %slice3A, %slice3A_28, %dot_general3A_30 {dimension_numbers = #tpu.dot_dimension_numbers<[1], [1], [0], [0], [0, 0, 1, 0], [], []>, precision = #tpu.contract_precision<fp32>, transpose_lhs_hint = false} : vector<64x48xf32>, vector<64x48xf32>, vector<64x64xf32> -> vector<64x64xf32>
    %mul3A = arith.constant 0.144337565 : f32
    %mul3A_32 = vector.broadcast %mul3A : f32 to vector<64x64xf32>
    %mul3A_33 = arith.mulf %dot_general3A_31, %mul3A_32 : vector<64x64xf32>
    %reduce_max3A = arith.constant dense<0xFF800000> : vector<64xf32>
    %reduce_max3A_34 = vector.multi_reduction <maximumf>, %mul3A_33, %reduce_max3A [1] : vector<64x64xf32> to vector<64xf32>
    %broadcast_in_dim3A = vector.shape_cast %reduce_max3A_34 : vector<64xf32> to vector<64x1xf32>
    %sub3A = vector.broadcast %broadcast_in_dim3A : vector<64x1xf32> to vector<64x64xf32>
    %sub3A_35 = arith.subf %mul3A_33, %sub3A : vector<64x64xf32>
    %exp3A = math.exp %sub3A_35 : vector<64x64xf32>
    %reduce_sum3A = arith.constant dense<0.000000e+00> : vector<64xf32>
    %reduce_sum3A_36 = vector.multi_reduction <add>, %exp3A, %reduce_sum3A [1] : vector<64x64xf32> to vector<64xf32>
    %broadcast_in_dim3A_37 = vector.shape_cast %reduce_sum3A_36 : vector<64xf32> to vector<64x1xf32>
    %div3A = vector.broadcast %broadcast_in_dim3A_37 : vector<64x1xf32> to vector<64x64xf32>
    %div3A_38 = arith.divf %exp3A, %div3A : vector<64x64xf32>
    %dot_general3A_39 = arith.constant dense<0.000000e+00> : vector<64x48xf32>
    %dot_general3A_40 = tpu.matmul %div3A_38, %slice3A_29, %dot_general3A_39 {dimension_numbers = #tpu.dot_dimension_numbers<[1], [0], [0], [1], [0, 0, 1, 1], [], []>, precision = #tpu.contract_precision<fp32>, transpose_lhs_hint = false} : vector<64x64xf32>, vector<64x48xf32>, vector<64x48xf32> -> vector<64x48xf32>
    %slice3A_41 = vector.extract_strided_slice %add3A_27 {offsets = [0, 48], sizes = [64, 48], strides = [1, 1]} : vector<64x1152xf32> to vector<64x48xf32>
    %slice3A_42 = vector.extract_strided_slice %add3A_27 {offsets = [0, 432], sizes = [64, 48], strides = [1, 1]} : vector<64x1152xf32> to vector<64x48xf32>
    %slice3A_43 = vector.extract_strided_slice %add3A_27 {offsets = [0, 816], sizes = [64, 48], strides = [1, 1]} : vector<64x1152xf32> to vector<64x48xf32>
    %dot_general3A_44 = arith.constant dense<0.000000e+00> : vector<64x64xf32>
    %dot_general3A_45 = tpu.matmul %slice3A_41, %slice3A_42, %dot_general3A_44 {dimension_numbers = #tpu.dot_dimension_numbers<[1], [1], [0], [0], [0, 0, 1, 0], [], []>, precision = #tpu.contract_precision<fp32>, transpose_lhs_hint = false} : vector<64x48xf32>, vector<64x48xf32>, vector<64x64xf32> -> vector<64x64xf32>
    %mul3A_46 = arith.constant 0.144337565 : f32
    %mul3A_47 = vector.broadcast %mul3A_46 : f32 to vector<64x64xf32>
    %mul3A_48 = arith.mulf %dot_general3A_45, %mul3A_47 : vector<64x64xf32>
    %reduce_max3A_49 = arith.constant dense<0xFF800000> : vector<64xf32>
    %reduce_max3A_50 = vector.multi_reduction <maximumf>, %mul3A_48, %reduce_max3A_49 [1] : vector<64x64xf32> to vector<64xf32>
    %broadcast_in_dim3A_51 = vector.shape_cast %reduce_max3A_50 : vector<64xf32> to vector<64x1xf32>
    %sub3A_52 = vector.broadcast %broadcast_in_dim3A_51 : vector<64x1xf32> to vector<64x64xf32>
    %sub3A_53 = arith.subf %mul3A_48, %sub3A_52 : vector<64x64xf32>
    %exp3A_54 = math.exp %sub3A_53 : vector<64x64xf32>
    %reduce_sum3A_55 = arith.constant dense<0.000000e+00> : vector<64xf32>
    %reduce_sum3A_56 = vector.multi_reduction <add>, %exp3A_54, %reduce_sum3A_55 [1] : vector<64x64xf32> to vector<64xf32>
    %broadcast_in_dim3A_57 = vector.shape_cast %reduce_sum3A_56 : vector<64xf32> to vector<64x1xf32>
    %div3A_58 = vector.broadcast %broadcast_in_dim3A_57 : vector<64x1xf32> to vector<64x64xf32>
    %div3A_59 = arith.divf %exp3A_54, %div3A_58 : vector<64x64xf32>
    %dot_general3A_60 = arith.constant dense<0.000000e+00> : vector<64x48xf32>
    %dot_general3A_61 = tpu.matmul %div3A_59, %slice3A_43, %dot_general3A_60 {dimension_numbers = #tpu.dot_dimension_numbers<[1], [0], [0], [1], [0, 0, 1, 1], [], []>, precision = #tpu.contract_precision<fp32>, transpose_lhs_hint = false} : vector<64x64xf32>, vector<64x48xf32>, vector<64x48xf32> -> vector<64x48xf32>
    %slice3A_62 = vector.extract_strided_slice %add3A_27 {offsets = [0, 96], sizes = [64, 48], strides = [1, 1]} : vector<64x1152xf32> to vector<64x48xf32>
    %slice3A_63 = vector.extract_strided_slice %add3A_27 {offsets = [0, 480], sizes = [64, 48], strides = [1, 1]} : vector<64x1152xf32> to vector<64x48xf32>
    %slice3A_64 = vector.extract_strided_slice %add3A_27 {offsets = [0, 864], sizes = [64, 48], strides = [1, 1]} : vector<64x1152xf32> to vector<64x48xf32>
    %dot_general3A_65 = arith.constant dense<0.000000e+00> : vector<64x64xf32>
    %dot_general3A_66 = tpu.matmul %slice3A_62, %slice3A_63, %dot_general3A_65 {dimension_numbers = #tpu.dot_dimension_numbers<[1], [1], [0], [0], [0, 0, 1, 0], [], []>, precision = #tpu.contract_precision<fp32>, transpose_lhs_hint = false} : vector<64x48xf32>, vector<64x48xf32>, vector<64x64xf32> -> vector<64x64xf32>
    %mul3A_67 = arith.constant 0.144337565 : f32
    %mul3A_68 = vector.broadcast %mul3A_67 : f32 to vector<64x64xf32>
    %mul3A_69 = arith.mulf %dot_general3A_66, %mul3A_68 : vector<64x64xf32>
    %reduce_max3A_70 = arith.constant dense<0xFF800000> : vector<64xf32>
    %reduce_max3A_71 = vector.multi_reduction <maximumf>, %mul3A_69, %reduce_max3A_70 [1] : vector<64x64xf32> to vector<64xf32>
    %broadcast_in_dim3A_72 = vector.shape_cast %reduce_max3A_71 : vector<64xf32> to vector<64x1xf32>
    %sub3A_73 = vector.broadcast %broadcast_in_dim3A_72 : vector<64x1xf32> to vector<64x64xf32>
    %sub3A_74 = arith.subf %mul3A_69, %sub3A_73 : vector<64x64xf32>
    %exp3A_75 = math.exp %sub3A_74 : vector<64x64xf32>
    %reduce_sum3A_76 = arith.constant dense<0.000000e+00> : vector<64xf32>
    %reduce_sum3A_77 = vector.multi_reduction <add>, %exp3A_75, %reduce_sum3A_76 [1] : vector<64x64xf32> to vector<64xf32>
    %broadcast_in_dim3A_78 = vector.shape_cast %reduce_sum3A_77 : vector<64xf32> to vector<64x1xf32>
    %div3A_79 = vector.broadcast %broadcast_in_dim3A_78 : vector<64x1xf32> to vector<64x64xf32>
    %div3A_80 = arith.divf %exp3A_75, %div3A_79 : vector<64x64xf32>
    %dot_general3A_81 = arith.constant dense<0.000000e+00> : vector<64x48xf32>
    %dot_general3A_82 = tpu.matmul %div3A_80, %slice3A_64, %dot_general3A_81 {dimension_numbers = #tpu.dot_dimension_numbers<[1], [0], [0], [1], [0, 0, 1, 1], [], []>, precision = #tpu.contract_precision<fp32>, transpose_lhs_hint = false} : vector<64x64xf32>, vector<64x48xf32>, vector<64x48xf32> -> vector<64x48xf32>
    %slice3A_83 = vector.extract_strided_slice %add3A_27 {offsets = [0, 144], sizes = [64, 48], strides = [1, 1]} : vector<64x1152xf32> to vector<64x48xf32>
    %slice3A_84 = vector.extract_strided_slice %add3A_27 {offsets = [0, 528], sizes = [64, 48], strides = [1, 1]} : vector<64x1152xf32> to vector<64x48xf32>
    %slice3A_85 = vector.extract_strided_slice %add3A_27 {offsets = [0, 912], sizes = [64, 48], strides = [1, 1]} : vector<64x1152xf32> to vector<64x48xf32>
    %dot_general3A_86 = arith.constant dense<0.000000e+00> : vector<64x64xf32>
    %dot_general3A_87 = tpu.matmul %slice3A_83, %slice3A_84, %dot_general3A_86 {dimension_numbers = #tpu.dot_dimension_numbers<[1], [1], [0], [0], [0, 0, 1, 0], [], []>, precision = #tpu.contract_precision<fp32>, transpose_lhs_hint = false} : vector<64x48xf32>, vector<64x48xf32>, vector<64x64xf32> -> vector<64x64xf32>
    %mul3A_88 = arith.constant 0.144337565 : f32
    %mul3A_89 = vector.broadcast %mul3A_88 : f32 to vector<64x64xf32>
    %mul3A_90 = arith.mulf %dot_general3A_87, %mul3A_89 : vector<64x64xf32>
    %reduce_max3A_91 = arith.constant dense<0xFF800000> : vector<64xf32>
    %reduce_max3A_92 = vector.multi_reduction <maximumf>, %mul3A_90, %reduce_max3A_91 [1] : vector<64x64xf32> to vector<64xf32>
    %broadcast_in_dim3A_93 = vector.shape_cast %reduce_max3A_92 : vector<64xf32> to vector<64x1xf32>
    %sub3A_94 = vector.broadcast %broadcast_in_dim3A_93 : vector<64x1xf32> to vector<64x64xf32>
    %sub3A_95 = arith.subf %mul3A_90, %sub3A_94 : vector<64x64xf32>
    %exp3A_96 = math.exp %sub3A_95 : vector<64x64xf32>
    %reduce_sum3A_97 = arith.constant dense<0.000000e+00> : vector<64xf32>
    %reduce_sum3A_98 = vector.multi_reduction <add>, %exp3A_96, %reduce_sum3A_97 [1] : vector<64x64xf32> to vector<64xf32>
    %broadcast_in_dim3A_99 = vector.shape_cast %reduce_sum3A_98 : vector<64xf32> to vector<64x1xf32>
    %div3A_100 = vector.broadcast %broadcast_in_dim3A_99 : vector<64x1xf32> to vector<64x64xf32>
    %div3A_101 = arith.divf %exp3A_96, %div3A_100 : vector<64x64xf32>
    %dot_general3A_102 = arith.constant dense<0.000000e+00> : vector<64x48xf32>
    %dot_general3A_103 = tpu.matmul %div3A_101, %slice3A_85, %dot_general3A_102 {dimension_numbers = #tpu.dot_dimension_numbers<[1], [0], [0], [1], [0, 0, 1, 1], [], []>, precision = #tpu.contract_precision<fp32>, transpose_lhs_hint = false} : vector<64x64xf32>, vector<64x48xf32>, vector<64x48xf32> -> vector<64x48xf32>
    %slice3A_104 = vector.extract_strided_slice %add3A_27 {offsets = [0, 192], sizes = [64, 48], strides = [1, 1]} : vector<64x1152xf32> to vector<64x48xf32>
    %slice3A_105 = vector.extract_strided_slice %add3A_27 {offsets = [0, 576], sizes = [64, 48], strides = [1, 1]} : vector<64x1152xf32> to vector<64x48xf32>
    %slice3A_106 = vector.extract_strided_slice %add3A_27 {offsets = [0, 960], sizes = [64, 48], strides = [1, 1]} : vector<64x1152xf32> to vector<64x48xf32>
    %dot_general3A_107 = arith.constant dense<0.000000e+00> : vector<64x64xf32>
    %dot_general3A_108 = tpu.matmul %slice3A_104, %slice3A_105, %dot_general3A_107 {dimension_numbers = #tpu.dot_dimension_numbers<[1], [1], [0], [0], [0, 0, 1, 0], [], []>, precision = #tpu.contract_precision<fp32>, transpose_lhs_hint = false} : vector<64x48xf32>, vector<64x48xf32>, vector<64x64xf32> -> vector<64x64xf32>
    %mul3A_109 = arith.constant 0.144337565 : f32
    %mul3A_110 = vector.broadcast %mul3A_109 : f32 to vector<64x64xf32>
    %mul3A_111 = arith.mulf %dot_general3A_108, %mul3A_110 : vector<64x64xf32>
    %reduce_max3A_112 = arith.constant dense<0xFF800000> : vector<64xf32>
    %reduce_max3A_113 = vector.multi_reduction <maximumf>, %mul3A_111, %reduce_max3A_112 [1] : vector<64x64xf32> to vector<64xf32>
    %broadcast_in_dim3A_114 = vector.shape_cast %reduce_max3A_113 : vector<64xf32> to vector<64x1xf32>
    %sub3A_115 = vector.broadcast %broadcast_in_dim3A_114 : vector<64x1xf32> to vector<64x64xf32>
    %sub3A_116 = arith.subf %mul3A_111, %sub3A_115 : vector<64x64xf32>
    %exp3A_117 = math.exp %sub3A_116 : vector<64x64xf32>
    %reduce_sum3A_118 = arith.constant dense<0.000000e+00> : vector<64xf32>
    %reduce_sum3A_119 = vector.multi_reduction <add>, %exp3A_117, %reduce_sum3A_118 [1] : vector<64x64xf32> to vector<64xf32>
    %broadcast_in_dim3A_120 = vector.shape_cast %reduce_sum3A_119 : vector<64xf32> to vector<64x1xf32>
    %div3A_121 = vector.broadcast %broadcast_in_dim3A_120 : vector<64x1xf32> to vector<64x64xf32>
    %div3A_122 = arith.divf %exp3A_117, %div3A_121 : vector<64x64xf32>
    %dot_general3A_123 = arith.constant dense<0.000000e+00> : vector<64x48xf32>
    %dot_general3A_124 = tpu.matmul %div3A_122, %slice3A_106, %dot_general3A_123 {dimension_numbers = #tpu.dot_dimension_numbers<[1], [0], [0], [1], [0, 0, 1, 1], [], []>, precision = #tpu.contract_precision<fp32>, transpose_lhs_hint = false} : vector<64x64xf32>, vector<64x48xf32>, vector<64x48xf32> -> vector<64x48xf32>
    %slice3A_125 = vector.extract_strided_slice %add3A_27 {offsets = [0, 240], sizes = [64, 48], strides = [1, 1]} : vector<64x1152xf32> to vector<64x48xf32>
    %slice3A_126 = vector.extract_strided_slice %add3A_27 {offsets = [0, 624], sizes = [64, 48], strides = [1, 1]} : vector<64x1152xf32> to vector<64x48xf32>
    %slice3A_127 = vector.extract_strided_slice %add3A_27 {offsets = [0, 1008], sizes = [64, 48], strides = [1, 1]} : vector<64x1152xf32> to vector<64x48xf32>
    %dot_general3A_128 = arith.constant dense<0.000000e+00> : vector<64x64xf32>
    %dot_general3A_129 = tpu.matmul %slice3A_125, %slice3A_126, %dot_general3A_128 {dimension_numbers = #tpu.dot_dimension_numbers<[1], [1], [0], [0], [0, 0, 1, 0], [], []>, precision = #tpu.contract_precision<fp32>, transpose_lhs_hint = false} : vector<64x48xf32>, vector<64x48xf32>, vector<64x64xf32> -> vector<64x64xf32>
    %mul3A_130 = arith.constant 0.144337565 : f32
    %mul3A_131 = vector.broadcast %mul3A_130 : f32 to vector<64x64xf32>
    %mul3A_132 = arith.mulf %dot_general3A_129, %mul3A_131 : vector<64x64xf32>
    %reduce_max3A_133 = arith.constant dense<0xFF800000> : vector<64xf32>
    %reduce_max3A_134 = vector.multi_reduction <maximumf>, %mul3A_132, %reduce_max3A_133 [1] : vector<64x64xf32> to vector<64xf32>
    %broadcast_in_dim3A_135 = vector.shape_cast %reduce_max3A_134 : vector<64xf32> to vector<64x1xf32>
    %sub3A_136 = vector.broadcast %broadcast_in_dim3A_135 : vector<64x1xf32> to vector<64x64xf32>
    %sub3A_137 = arith.subf %mul3A_132, %sub3A_136 : vector<64x64xf32>
    %exp3A_138 = math.exp %sub3A_137 : vector<64x64xf32>
    %reduce_sum3A_139 = arith.constant dense<0.000000e+00> : vector<64xf32>
    %reduce_sum3A_140 = vector.multi_reduction <add>, %exp3A_138, %reduce_sum3A_139 [1] : vector<64x64xf32> to vector<64xf32>
    %broadcast_in_dim3A_141 = vector.shape_cast %reduce_sum3A_140 : vector<64xf32> to vector<64x1xf32>
    %div3A_142 = vector.broadcast %broadcast_in_dim3A_141 : vector<64x1xf32> to vector<64x64xf32>
    %div3A_143 = arith.divf %exp3A_138, %div3A_142 : vector<64x64xf32>
    %dot_general3A_144 = arith.constant dense<0.000000e+00> : vector<64x48xf32>
    %dot_general3A_145 = tpu.matmul %div3A_143, %slice3A_127, %dot_general3A_144 {dimension_numbers = #tpu.dot_dimension_numbers<[1], [0], [0], [1], [0, 0, 1, 1], [], []>, precision = #tpu.contract_precision<fp32>, transpose_lhs_hint = false} : vector<64x64xf32>, vector<64x48xf32>, vector<64x48xf32> -> vector<64x48xf32>
    %slice3A_146 = vector.extract_strided_slice %add3A_27 {offsets = [0, 288], sizes = [64, 48], strides = [1, 1]} : vector<64x1152xf32> to vector<64x48xf32>
    %slice3A_147 = vector.extract_strided_slice %add3A_27 {offsets = [0, 672], sizes = [64, 48], strides = [1, 1]} : vector<64x1152xf32> to vector<64x48xf32>
    %slice3A_148 = vector.extract_strided_slice %add3A_27 {offsets = [0, 1056], sizes = [64, 48], strides = [1, 1]} : vector<64x1152xf32> to vector<64x48xf32>
    %dot_general3A_149 = arith.constant dense<0.000000e+00> : vector<64x64xf32>
    %dot_general3A_150 = tpu.matmul %slice3A_146, %slice3A_147, %dot_general3A_149 {dimension_numbers = #tpu.dot_dimension_numbers<[1], [1], [0], [0], [0, 0, 1, 0], [], []>, precision = #tpu.contract_precision<fp32>, transpose_lhs_hint = false} : vector<64x48xf32>, vector<64x48xf32>, vector<64x64xf32> -> vector<64x64xf32>
    %mul3A_151 = arith.constant 0.144337565 : f32
    %mul3A_152 = vector.broadcast %mul3A_151 : f32 to vector<64x64xf32>
    %mul3A_153 = arith.mulf %dot_general3A_150, %mul3A_152 : vector<64x64xf32>
    %reduce_max3A_154 = arith.constant dense<0xFF800000> : vector<64xf32>
    %reduce_max3A_155 = vector.multi_reduction <maximumf>, %mul3A_153, %reduce_max3A_154 [1] : vector<64x64xf32> to vector<64xf32>
    %broadcast_in_dim3A_156 = vector.shape_cast %reduce_max3A_155 : vector<64xf32> to vector<64x1xf32>
    %sub3A_157 = vector.broadcast %broadcast_in_dim3A_156 : vector<64x1xf32> to vector<64x64xf32>
    %sub3A_158 = arith.subf %mul3A_153, %sub3A_157 : vector<64x64xf32>
    %exp3A_159 = math.exp %sub3A_158 : vector<64x64xf32>
    %reduce_sum3A_160 = arith.constant dense<0.000000e+00> : vector<64xf32>
    %reduce_sum3A_161 = vector.multi_reduction <add>, %exp3A_159, %reduce_sum3A_160 [1] : vector<64x64xf32> to vector<64xf32>
    %broadcast_in_dim3A_162 = vector.shape_cast %reduce_sum3A_161 : vector<64xf32> to vector<64x1xf32>
    %div3A_163 = vector.broadcast %broadcast_in_dim3A_162 : vector<64x1xf32> to vector<64x64xf32>
    %div3A_164 = arith.divf %exp3A_159, %div3A_163 : vector<64x64xf32>
    %dot_general3A_165 = arith.constant dense<0.000000e+00> : vector<64x48xf32>
    %dot_general3A_166 = tpu.matmul %div3A_164, %slice3A_148, %dot_general3A_165 {dimension_numbers = #tpu.dot_dimension_numbers<[1], [0], [0], [1], [0, 0, 1, 1], [], []>, precision = #tpu.contract_precision<fp32>, transpose_lhs_hint = false} : vector<64x64xf32>, vector<64x48xf32>, vector<64x48xf32> -> vector<64x48xf32>
    %slice3A_167 = vector.extract_strided_slice %add3A_27 {offsets = [0, 336], sizes = [64, 48], strides = [1, 1]} : vector<64x1152xf32> to vector<64x48xf32>
    %slice3A_168 = vector.extract_strided_slice %add3A_27 {offsets = [0, 720], sizes = [64, 48], strides = [1, 1]} : vector<64x1152xf32> to vector<64x48xf32>
    %slice3A_169 = vector.extract_strided_slice %add3A_27 {offsets = [0, 1104], sizes = [64, 48], strides = [1, 1]} : vector<64x1152xf32> to vector<64x48xf32>
    %dot_general3A_170 = arith.constant dense<0.000000e+00> : vector<64x64xf32>
    %dot_general3A_171 = tpu.matmul %slice3A_167, %slice3A_168, %dot_general3A_170 {dimension_numbers = #tpu.dot_dimension_numbers<[1], [1], [0], [0], [0, 0, 1, 0], [], []>, precision = #tpu.contract_precision<fp32>, transpose_lhs_hint = false} : vector<64x48xf32>, vector<64x48xf32>, vector<64x64xf32> -> vector<64x64xf32>
    %mul3A_172 = arith.constant 0.144337565 : f32
    %mul3A_173 = vector.broadcast %mul3A_172 : f32 to vector<64x64xf32>
    %mul3A_174 = arith.mulf %dot_general3A_171, %mul3A_173 : vector<64x64xf32>
    %reduce_max3A_175 = arith.constant dense<0xFF800000> : vector<64xf32>
    %reduce_max3A_176 = vector.multi_reduction <maximumf>, %mul3A_174, %reduce_max3A_175 [1] : vector<64x64xf32> to vector<64xf32>
    %broadcast_in_dim3A_177 = vector.shape_cast %reduce_max3A_176 : vector<64xf32> to vector<64x1xf32>
    %sub3A_178 = vector.broadcast %broadcast_in_dim3A_177 : vector<64x1xf32> to vector<64x64xf32>
    %sub3A_179 = arith.subf %mul3A_174, %sub3A_178 : vector<64x64xf32>
    %exp3A_180 = math.exp %sub3A_179 : vector<64x64xf32>
    %reduce_sum3A_181 = arith.constant dense<0.000000e+00> : vector<64xf32>
    %reduce_sum3A_182 = vector.multi_reduction <add>, %exp3A_180, %reduce_sum3A_181 [1] : vector<64x64xf32> to vector<64xf32>
    %broadcast_in_dim3A_183 = vector.shape_cast %reduce_sum3A_182 : vector<64xf32> to vector<64x1xf32>
    %div3A_184 = vector.broadcast %broadcast_in_dim3A_183 : vector<64x1xf32> to vector<64x64xf32>
    %div3A_185 = arith.divf %exp3A_180, %div3A_184 : vector<64x64xf32>
    %dot_general3A_186 = arith.constant dense<0.000000e+00> : vector<64x48xf32>
    %dot_general3A_187 = tpu.matmul %div3A_185, %slice3A_169, %dot_general3A_186 {dimension_numbers = #tpu.dot_dimension_numbers<[1], [0], [0], [1], [0, 0, 1, 1], [], []>, precision = #tpu.contract_precision<fp32>, transpose_lhs_hint = false} : vector<64x64xf32>, vector<64x48xf32>, vector<64x48xf32> -> vector<64x48xf32>
    %concatenate3A_188 = tpu.concatenate %dot_general3A_40, %dot_general3A_61, %dot_general3A_82, %dot_general3A_103, %dot_general3A_124, %dot_general3A_145, %dot_general3A_166, %dot_general3A_187 in 1 : vector<64x48xf32>, vector<64x48xf32>, vector<64x48xf32>, vector<64x48xf32>, vector<64x48xf32>, vector<64x48xf32>, vector<64x48xf32>, vector<64x48xf32> -> vector<64x384xf32>
    %get3A_189 = arith.constant 0 : index
    %get3A_190 = arith.constant 0 : index
    %get3A_191 = vector.load %arg6[%get3A_189, %get3A_190] : memref<384x384xf32, #tpu.memory_space<vmem>>, vector<384x384xf32>
    %dot_general3A_192 = arith.constant dense<0.000000e+00> : vector<64x384xf32>
    %dot_general3A_193 = tpu.matmul %concatenate3A_188, %get3A_191, %dot_general3A_192 {dimension_numbers = #tpu.dot_dimension_numbers<[1], [0], [0], [1], [0, 0, 1, 1], [], []>, precision = #tpu.contract_precision<fp32>, transpose_lhs_hint = false} : vector<64x384xf32>, vector<384x384xf32>, vector<64x384xf32> -> vector<64x384xf32>
    %get3A_194 = arith.constant 0 : index
    %get3A_195 = arith.constant 0 : index
    %get3A_196 = vector.load %arg7[%get3A_194, %get3A_195] : memref<1x384xf32, #tpu.memory_space<vmem>>, vector<1x384xf32>
    %add3A_197 = vector.broadcast %get3A_196 : vector<1x384xf32> to vector<64x384xf32>
    %add3A_198 = arith.addf %dot_general3A_193, %add3A_197 : vector<64x384xf32>
    %add3A_199 = arith.addf %concatenate3A, %add3A_198 : vector<64x384xf32>
    %get3A_200 = arith.constant 0 : index
    %get3A_201 = arith.constant 0 : index
    %get3A_202 = vector.load %arg12[%get3A_200, %get3A_201] : memref<1x384xf32, #tpu.memory_space<vmem>>, vector<1x384xf32>
    %get3A_203 = arith.constant 0 : index
    %get3A_204 = arith.constant 0 : index
    %get3A_205 = vector.load %arg13[%get3A_203, %get3A_204] : memref<1x384xf32, #tpu.memory_space<vmem>>, vector<1x384xf32>
    %reduce_sum3A_206 = arith.constant dense<0.000000e+00> : vector<64xf32>
    %reduce_sum3A_207 = vector.multi_reduction <add>, %add3A_199, %reduce_sum3A_206 [1] : vector<64x384xf32> to vector<64xf32>
    %broadcast_in_dim3A_208 = vector.shape_cast %reduce_sum3A_207 : vector<64xf32> to vector<64x1xf32>
    %div3A_209 = arith.constant 3.840000e+02 : f32
    %div3A_210 = vector.broadcast %div3A_209 : f32 to vector<64x1xf32>
    %div3A_211 = arith.divf %broadcast_in_dim3A_208, %div3A_210 : vector<64x1xf32>
    %sub3A_212 = vector.broadcast %div3A_211 : vector<64x1xf32> to vector<64x384xf32>
    %sub3A_213 = arith.subf %add3A_199, %sub3A_212 : vector<64x384xf32>
    %sub3A_214 = vector.broadcast %div3A_211 : vector<64x1xf32> to vector<64x384xf32>
    %sub3A_215 = arith.subf %add3A_199, %sub3A_214 : vector<64x384xf32>
    %mul3A_216 = arith.mulf %sub3A_213, %sub3A_215 : vector<64x384xf32>
    %reduce_sum3A_217 = arith.constant dense<0.000000e+00> : vector<64xf32>
    %reduce_sum3A_218 = vector.multi_reduction <add>, %mul3A_216, %reduce_sum3A_217 [1] : vector<64x384xf32> to vector<64xf32>
    %broadcast_in_dim3A_219 = vector.shape_cast %reduce_sum3A_218 : vector<64xf32> to vector<64x1xf32>
    %div3A_220 = arith.constant 3.840000e+02 : f32
    %div3A_221 = vector.broadcast %div3A_220 : f32 to vector<64x1xf32>
    %div3A_222 = arith.divf %broadcast_in_dim3A_219, %div3A_221 : vector<64x1xf32>
    %sub3A_223 = vector.broadcast %div3A_211 : vector<64x1xf32> to vector<64x384xf32>
    %sub3A_224 = arith.subf %add3A_199, %sub3A_223 : vector<64x384xf32>
    %add3A_225 = arith.constant 9.99999974E-6 : f32
    %add3A_226 = vector.broadcast %add3A_225 : f32 to vector<64x1xf32>
    %add3A_227 = arith.addf %div3A_222, %add3A_226 : vector<64x1xf32>
    %rsqrt3A = math.rsqrt %add3A_227 : vector<64x1xf32>
    %mul3A_228 = vector.broadcast %rsqrt3A : vector<64x1xf32> to vector<64x384xf32>
    %mul3A_229 = arith.mulf %sub3A_224, %mul3A_228 : vector<64x384xf32>
    %mul3A_230 = vector.broadcast %get3A_202 : vector<1x384xf32> to vector<64x384xf32>
    %mul3A_231 = arith.mulf %mul3A_229, %mul3A_230 : vector<64x384xf32>
    %add3A_232 = vector.broadcast %get3A_205 : vector<1x384xf32> to vector<64x384xf32>
    %add3A_233 = arith.addf %mul3A_231, %add3A_232 : vector<64x384xf32>
    %get3A_234 = arith.constant 0 : index
    %get3A_235 = arith.constant 0 : index
    %get3A_236 = vector.load %arg8[%get3A_234, %get3A_235] : memref<384x2048xf32, #tpu.memory_space<vmem>>, vector<384x2048xf32>
    %dot_general3A_237 = arith.constant dense<0.000000e+00> : vector<64x2048xf32>
    %dot_general3A_238 = tpu.matmul %add3A_233, %get3A_236, %dot_general3A_237 {dimension_numbers = #tpu.dot_dimension_numbers<[1], [0], [0], [1], [0, 0, 1, 1], [], []>, precision = #tpu.contract_precision<fp32>, transpose_lhs_hint = false} : vector<64x384xf32>, vector<384x2048xf32>, vector<64x2048xf32> -> vector<64x2048xf32>
    %get3A_239 = arith.constant 0 : index
    %get3A_240 = arith.constant 0 : index
    %get3A_241 = vector.load %arg9[%get3A_239, %get3A_240] : memref<1x2048xf32, #tpu.memory_space<vmem>>, vector<1x2048xf32>
    %add3A_242 = vector.broadcast %get3A_241 : vector<1x2048xf32> to vector<64x2048xf32>
    %add3A_243 = arith.addf %dot_general3A_238, %add3A_242 : vector<64x2048xf32>
    %max3A = arith.constant 0.000000e+00 : f32
    %max3A_244 = vector.broadcast %max3A : f32 to vector<64x2048xf32>
    %max3A_245 = arith.maximumf %add3A_243, %max3A_244 : vector<64x2048xf32>
    %get3A_246 = arith.constant 0 : index
    %get3A_247 = arith.constant 0 : index
    %get3A_248 = vector.load %arg10[%get3A_246, %get3A_247] : memref<2048x384xf32, #tpu.memory_space<vmem>>, vector<2048x384xf32>
    %dot_general3A_249 = arith.constant dense<0.000000e+00> : vector<64x384xf32>
    %dot_general3A_250 = tpu.matmul %max3A_245, %get3A_248, %dot_general3A_249 {dimension_numbers = #tpu.dot_dimension_numbers<[1], [0], [0], [1], [0, 0, 1, 1], [], []>, precision = #tpu.contract_precision<fp32>, transpose_lhs_hint = false} : vector<64x2048xf32>, vector<2048x384xf32>, vector<64x384xf32> -> vector<64x384xf32>
    %get3A_251 = arith.constant 0 : index
    %get3A_252 = arith.constant 0 : index
    %get3A_253 = vector.load %arg11[%get3A_251, %get3A_252] : memref<1x384xf32, #tpu.memory_space<vmem>>, vector<1x384xf32>
    %add3A_254 = vector.broadcast %get3A_253 : vector<1x384xf32> to vector<64x384xf32>
    %add3A_255 = arith.addf %dot_general3A_250, %add3A_254 : vector<64x384xf32>
    %add3A_256 = arith.addf %add3A_233, %add3A_255 : vector<64x384xf32>
    %get3A_257 = arith.constant 0 : index
    %get3A_258 = arith.constant 0 : index
    %get3A_259 = vector.load %arg14[%get3A_257, %get3A_258] : memref<1x384xf32, #tpu.memory_space<vmem>>, vector<1x384xf32>
    %get3A_260 = arith.constant 0 : index
    %get3A_261 = arith.constant 0 : index
    %get3A_262 = vector.load %arg15[%get3A_260, %get3A_261] : memref<1x384xf32, #tpu.memory_space<vmem>>, vector<1x384xf32>
    %reduce_sum3A_263 = arith.constant dense<0.000000e+00> : vector<64xf32>
    %reduce_sum3A_264 = vector.multi_reduction <add>, %add3A_256, %reduce_sum3A_263 [1] : vector<64x384xf32> to vector<64xf32>
    %broadcast_in_dim3A_265 = vector.shape_cast %reduce_sum3A_264 : vector<64xf32> to vector<64x1xf32>
    %div3A_266 = arith.constant 3.840000e+02 : f32
    %div3A_267 = vector.broadcast %div3A_266 : f32 to vector<64x1xf32>
    %div3A_268 = arith.divf %broadcast_in_dim3A_265, %div3A_267 : vector<64x1xf32>
    %sub3A_269 = vector.broadcast %div3A_268 : vector<64x1xf32> to vector<64x384xf32>
    %sub3A_270 = arith.subf %add3A_256, %sub3A_269 : vector<64x384xf32>
    %sub3A_271 = vector.broadcast %div3A_268 : vector<64x1xf32> to vector<64x384xf32>
    %sub3A_272 = arith.subf %add3A_256, %sub3A_271 : vector<64x384xf32>
    %mul3A_273 = arith.mulf %sub3A_270, %sub3A_272 : vector<64x384xf32>
    %reduce_sum3A_274 = arith.constant dense<0.000000e+00> : vector<64xf32>
    %reduce_sum3A_275 = vector.multi_reduction <add>, %mul3A_273, %reduce_sum3A_274 [1] : vector<64x384xf32> to vector<64xf32>
    %broadcast_in_dim3A_276 = vector.shape_cast %reduce_sum3A_275 : vector<64xf32> to vector<64x1xf32>
    %div3A_277 = arith.constant 3.840000e+02 : f32
    %div3A_278 = vector.broadcast %div3A_277 : f32 to vector<64x1xf32>
    %div3A_279 = arith.divf %broadcast_in_dim3A_276, %div3A_278 : vector<64x1xf32>
    %sub3A_280 = vector.broadcast %div3A_268 : vector<64x1xf32> to vector<64x384xf32>
    %sub3A_281 = arith.subf %add3A_256, %sub3A_280 : vector<64x384xf32>
    %add3A_282 = arith.constant 9.99999974E-6 : f32
    %add3A_283 = vector.broadcast %add3A_282 : f32 to vector<64x1xf32>
    %add3A_284 = arith.addf %div3A_279, %add3A_283 : vector<64x1xf32>
    %rsqrt3A_285 = math.rsqrt %add3A_284 : vector<64x1xf32>
    %mul3A_286 = vector.broadcast %rsqrt3A_285 : vector<64x1xf32> to vector<64x384xf32>
    %mul3A_287 = arith.mulf %sub3A_281, %mul3A_286 : vector<64x384xf32>
    %mul3A_288 = vector.broadcast %get3A_259 : vector<1x384xf32> to vector<64x384xf32>
    %mul3A_289 = arith.mulf %mul3A_287, %mul3A_288 : vector<64x384xf32>
    %add3A_290 = vector.broadcast %get3A_262 : vector<1x384xf32> to vector<64x384xf32>
    %add3A_291 = arith.addf %mul3A_289, %add3A_290 : vector<64x384xf32>
    %reduce_sum3A_292 = arith.constant dense<0.000000e+00> : vector<384xf32>
    %reduce_sum3A_293 = vector.multi_reduction <add>, %add3A_291, %reduce_sum3A_292 [0] : vector<64x384xf32> to vector<384xf32>
    %broadcast_in_dim3A_294 = vector.shape_cast %reduce_sum3A_293 : vector<384xf32> to vector<1x384xf32>
    %div3A_295 = arith.constant 6.400000e+01 : f32
    %div3A_296 = vector.broadcast %div3A_295 : f32 to vector<1x384xf32>
    %div3A_297 = arith.divf %broadcast_in_dim3A_294, %div3A_296 : vector<1x384xf32>
    %get3A_298 = arith.constant 0 : index
    %get3A_299 = arith.constant 0 : index
    %get3A_300 = vector.load %arg16[%get3A_298, %get3A_299] : memref<384x128xf32, #tpu.memory_space<vmem>>, vector<384x128xf32>
    %dot_general3A_301 = arith.constant dense<0.000000e+00> : vector<1x128xf32>
    %dot_general3A_302 = tpu.matmul %div3A_297, %get3A_300, %dot_general3A_301 {dimension_numbers = #tpu.dot_dimension_numbers<[1], [0], [0], [1], [0, 0, 1, 1], [], []>, precision = #tpu.contract_precision<fp32>, transpose_lhs_hint = false} : vector<1x384xf32>, vector<384x128xf32>, vector<1x128xf32> -> vector<1x128xf32>
    %get3A_303 = arith.constant 0 : index
    %get3A_304 = arith.constant 0 : index
    %get3A_305 = vector.load %arg17[%get3A_303, %get3A_304] : memref<1x128xf32, #tpu.memory_space<vmem>>, vector<1x128xf32>
    %add3A_306 = arith.addf %dot_general3A_302, %get3A_305 : vector<1x128xf32>
    %max3A_307 = arith.constant 0.000000e+00 : f32
    %max3A_308 = vector.broadcast %max3A_307 : f32 to vector<1x128xf32>
    %max3A_309 = arith.maximumf %add3A_306, %max3A_308 : vector<1x128xf32>
    %get3A_310 = arith.constant 0 : index
    %get3A_311 = arith.constant 0 : index
    %get3A_312 = vector.load %arg18[%get3A_310, %get3A_311] : memref<128x1xf32, #tpu.memory_space<vmem>>, vector<128x1xf32>
    %dot_general3A_313 = arith.constant dense<0.000000e+00> : vector<1x1xf32>
    %dot_general3A_314 = tpu.matmul %max3A_309, %get3A_312, %dot_general3A_313 {dimension_numbers = #tpu.dot_dimension_numbers<[1], [0], [0], [1], [0, 0, 1, 1], [], []>, precision = #tpu.contract_precision<fp32>, transpose_lhs_hint = false} : vector<1x128xf32>, vector<128x1xf32>, vector<1x1xf32> -> vector<1x1xf32>
    %get3A_315 = arith.constant 0 : index
    %get3A_316 = arith.constant 0 : index
    %get3A_317 = vector.load %arg19[%get3A_315, %get3A_316] : memref<1x1xf32, #tpu.memory_space<vmem>>, vector<1x1xf32>
    %add3A_318 = arith.addf %dot_general3A_314, %get3A_317 : vector<1x1xf32>
    %swap3A = arith.constant 0 : index
    %swap3A_319 = arith.constant 0 : index
    %swap3A_320 = vector.load %arg20[%swap3A, %swap3A_319] : memref<1x1xf32, #tpu.memory_space<vmem>>, vector<1x1xf32>
    tpu.vector_store %arg20[%swap3A, %swap3A_319], %add3A_318 {strides = array<i32>} : memref<1x1xf32, #tpu.memory_space<vmem>>, vector<1x1xf32>,
    return
  }
}

</mosaic_0001>

<sc_bundles>
// kernel: kernel.12.cloned.1.call-start
scs
__scs_entry_jumppad:
0x0: {  	(pc) =	sbr.rel $0x88, $3  }
0x1: {  	(tag) =	ssettag $0x0;
	lr =	simm.s32 $0x1  }
0x2: {  	[smem:$0x3F7E] =	sst lr;
	_ =	strace $0xD0000000  }
0x3: {  	_ = 	snop  }
0x4: {  	_ = 	snop  }
0x5: {  	_ = 	snop  }
0x6: {  	_ = 	snop  }
0x7: {  	_ = 	snop  }
__scs_overlays_trampoline_lowered:
0x8: {  	[smem:$0x3F8D] =	sst s0  }
0x9: {  	[smem:$0x3F8E] =	sst s1  }
0xa: {  	[smem:$0x3F8F] =	sst s2  }
0xb: {  	[smem:$0x3F90] =	sst s3  }
0xc: {  	[smem:$0x3F91] =	sst s4  }
0xd: {  	[smem:$0x3F92] =	sst s5  }
0xe: {  	[smem:$0x3F93] =	sst s6  }
0xf: {  	[smem:$0x3F94] =	sst s7  }
0x10: {  	[smem:$0x3F95] =	sst s8  }
0x11: {  	[smem:$0x3F96] =	sst s9;
	s0 =	simm.s32 @!p0 $0x0  }
0x12: {  	s1 =	sld [smem:$0x3F7C];
	s0 =	simm.s32 @p0 $0x1  }
0x13: {  	[smem:$0x3F97] =	sst s0;
	s0 =	simm.s32 @!p1 $0x0  }
0x14: {  	s2 =	sld [smem:$0x3F7B];
	s0 =	simm.s32 @p1 $0x1  }
0x15: {  	[smem:$0x3F98] =	sst s0;
	s0 =	simm.s32 @!p2 $0x0  }
0x16: {  	s3 =	sld [smem:$0x3FDB];
	s0 =	simm.s32 @p2 $0x1  }
0x17: {  	s4 =	simm.s32 $0x1BF5;
	[smem:$0x3F9A] =	sst s0  }
0x18: {  	s0 =	sld [smem:$0x3F7D];
	_ =	swait.ge [sflag:s4], $0x0  }
0x19: {  	s7 =	sld [smem:$0x3F7E]  }
0x1a: {  	s8 =	sadd.s32 $0xFFFFE003, lr  }
0x1b: {  	s9 =	sadd.s32 $0xFFFFFEF7, lr;
	s5 =	simm.s32 $0xFFFFFFFF;
	p2 =	slt.u32 s8, $0xFFFFF086  }
0x1c: {  	p1 =	slt.u32 s9, $0xF7A;
	s5 =	simm.s32 @!p2 $0x0  }
0x1d: {  	s5 =	simm.s32 @p1 $0x1;
	p0 =	seq.s32 s7, s2  }
0x1e: {  	s7 =	smul.u32 @!p0 $0xF7A, s2;
	p2 =	seq.s32 @!p0 s5, $0x0  }
0x1f: {  	s9 =	smul.u32 $0xF7A, s1;
	s8 =	simm.s32 @!p0 $0x1BF5;
	p2 =	por !p2, p0  }
0x20: {  	[sflag:s8] =	ssyncset.s32 @!p0 $0xFFFFF086;
	s6 =	sadd.s32 @!p0 s3, s7;
	s7 =	simm.s32 @!p0 $0x108  }
0x21: {  	s3 =	sadd.s32 s3, s9;
	s6 =	sadd.s32 @!p0 $0x88, s6;
	s7 =	simm.s32 @p2 $0x1082  }
0x22: {  	[simem:s7], [sflag:s8] =	dma.local @!p0 [hbm:s6], $0xF7A  }
0x23: {  	s9 =	sor.u32 $0xD0000000, s2;
	s6 =	simm.s32 $0x108;
	_ =	swait.ge @!p0 [sflag:s8], $0x0  }
0x24: {  	s3 =	sadd.s32 $0x88, s3;
	s6 =	simm.s32 @!p1 $0x1082;
	[sflag:s4] =	ssyncset.s32 $0xFFFFF086  }
0x25: {  	[simem:s6], [sflag:s4] =	dma.local [hbm:s3], $0xF7A  }
0x26: {  	[smem:$0x3F7E] =	sst s1;
	(tag) =	ssettag s2;
	_ =	strace s9  }
0x27: {  	s1 =	sld [smem:$0x3F8E]  }
0x28: {  	s2 =	sld [smem:$0x3F8F]  }
0x29: {  	s4 =	sld [smem:$0x3F91]  }
0x2a: {  	p0 =	seq.s32 s5, $0x0;
	s5 =	sld [smem:$0x3F92]  }
0x2b: {  	s6 =	sld [smem:$0x3F93]  }
0x2c: {  	s7 =	sld [smem:$0x3F94]  }
0x2d: {  	s3 =	simm.s32 $0x108;
	s8 =	sld [smem:$0x3F95]  }
0x2e: {  	s3 =	simm.s32 @!p0 $0x1082;
	s9 =	sld [smem:$0x3F96]  }
0x2f: {  	lr =	sadd.s32 s0, s3;
	s0 =	sld [smem:$0x3F8D]  }
0x30: {  	s3 =	sld [smem:$0x3F90]  }
0x31: {  	[smem:$0x3F99] =	sst s10  }
0x32: {  	s10 =	sld [smem:$0x3F97];
	_ =	sdelay $0x3  }
0x33: {  	p0 =	seq.s32 s10, $0x1;
	s10 =	sld [smem:$0x3F99];
	_ =	sdelay $0x3  }
0x34: {  	[smem:$0x3F99] =	sst s10  }
0x35: {  	s10 =	sld [smem:$0x3F98];
	_ =	sdelay $0x3  }
0x36: {  	p1 =	seq.s32 s10, $0x1;
	s10 =	sld [smem:$0x3F99];
	_ =	sdelay $0x3  }
0x37: {  	[smem:$0x3F99] =	sst s10  }
0x38: {  	s10 =	sld [smem:$0x3F9A]  }
0x39: {  	_ = 	snop;
	(pc) =	sbr.ind lr, $3  }
0x3a: {  	_ = 	snop  }
0x3b: {  	_ = 	snop  }
0x3c: {  	p2 =	seq.s32 s10, $0x1;
	s10 =	sld [smem:$0x3F99]  }
0x3d: {  	_ =	shalt  }
0x3e: {  	_ =	shalt  }
0x3f: {  	_ =	shalt  }
0x40: {  	_ =	shalt  }
0x41: {  	_ =	shalt  }
0x42: {  	_ =	shalt  }
0x43: {  	_ =	shalt  }
0x44: {  	_ =	shalt  }
0x45: {  	_ =	shalt  }
0x46: {  	_ =	shalt  }
0x47: {  	_ =	shalt  }
0x48: {  	_ =	shalt  }
0x49: {  	_ =	shalt  }
0x4a: {  	_ =	shalt  }
0x4b: {  	_ =	shalt  }
0x4c: {  	_ =	shalt  }
0x4d: {  	_ =	shalt  }
0x4e: {  	_ =	shalt  }
0x4f: {  	_ =	shalt  }
0x50: {  	_ =	shalt  }
0x51: {  	_ =	shalt  }
0x52: {  	_ =	shalt  }
0x53: {  	_ =	shalt  }
0x54: {  	_ =	shalt  }
0x55: {  	_ =	shalt  }
0x56: {  	_ =	shalt  }
0x57: {  	_ =	shalt  }
0x58: {  	_ =	shalt  }
0x59: {  	_ =	shalt  }
0x5a: {  	_ =	shalt  }
0x5b: {  	_ =	shalt  }
0x5c: {  	_ =	shalt  }
0x5d: {  	_ =	shalt  }
0x5e: {  	_ =	shalt  }
0x5f: {  	_ =	shalt  }
0x60: {  	_ =	shalt  }
0x61: {  	_ =	shalt  }
0x62: {  	_ =	shalt  }
0x63: {  	_ =	shalt  }
0x64: {  	_ =	shalt  }
0x65: {  	_ =	shalt  }
0x66: {  	_ =	shalt  }
0x67: {  	_ =	shalt  }
0x68: {  	_ =	shalt  }
0x69: {  	_ =	shalt  }
0x6a: {  	_ =	shalt  }
0x6b: {  	_ =	shalt  }
0x6c: {  	_ =	shalt  }
0x6d: {  	_ =	shalt  }
0x6e: {  	_ =	shalt  }
0x6f: {  	_ =	shalt  }
0x70: {  	_ =	shalt  }
0x71: {  	_ =	shalt  }
0x72: {  	_ =	shalt  }
0x73: {  	_ =	shalt  }
0x74: {  	_ =	shalt  }
0x75: {  	_ =	shalt  }
0x76: {  	_ =	shalt  }
0x77: {  	_ =	shalt  }
0x78: {  	_ =	shalt  }
0x79: {  	_ =	shalt  }
0x7a: {  	_ =	shalt  }
0x7b: {  	_ =	shalt  }
0x7c: {  	_ =	shalt  }
0x7d: {  	_ =	shalt  }
0x7e: {  	_ =	shalt  }
0x7f: {  	_ =	shalt  }
0x80: {  	_ =	shalt  }
0x81: {  	_ =	shalt  }
0x82: {  	_ =	shalt  }
0x83: {  	_ =	shalt  }
0x84: {  	_ =	shalt  }
0x85: {  	_ =	shalt  }
0x86: {  	_ =	shalt  }
0x87: {  	_ =	shalt  }
.Lfunc_end0:
.L_simem_size_0:
called_computation.1_lowered:
.L_overlay_start_0:
0x88: {  	s2 =	sld [smem:$0x3FD9]  }
0x89: {  	s3 =	sld [smem:$0x3FFE];
	_ =	sdelay $0x1  }
0x8a: {  	s1 =	srdreg.scid  }
0x8b: {  	s0 =	sand.u32 $0x1, s1  }
0x8c: {  	s16 =	sshll.u32 s0, $0xA;
	s2 =	sadd.s32 s3, s2  }
0x8d: {  	s2 =	sadd.s32 s2, s16  }
0x8e: {  	[smem:$0x3FA5] =	sst s2  }
0x8f: {  	_ = 	snop  }
0x90: {  	(tm) =	ssettm $0x1  }
0x91: {  	s17 =	sld [smem:$0x3FFB];
	_ =	sdelay $0x3  }
0x92: {  	_ =	strace s17  }
0x93: {  	s2 =	sld [smem:$0x3FFC];
	_ =	sdelay $0x3  }
0x94: {  	_ =	strace s2  }
0x95: {  	s2 =	sld [smem:$0x3FFD];
	_ =	sdelay $0x3  }
0x96: {  	_ =	strace s2  }
0x97: {  	_ =	strace $0x8FFFFFFF  }
0x98: {  	s18 =	sld [smem:$0x3FDB];
	_ =	sdelay $0x1  }
0x99: {  	s19 =	simm.s32 $_scs_section_size  }
0x9a: {  	s4 =	simm.s32 $_size__tile_overlayer_lowered;
	s5 =	simm.s32 $_tile_overlayer_lowered  }
0x9b: {  	s22 =	simm.s32 $0x1BFF;
	s21 =	sshll.u32 s5, $0x1;
	s2 =	sadd.s32 s19, s18  }
0x9c: {  	s6 =	simm.s32 $0x0;
	s20 =	sshll.u32 s4, $0x1;
	s4 =	sadd.s32 s21, s2  }
0x9d: {  	[timem:s6], [sflag:s22] =	dma.local [hbm:s4], s20  }
0x9e: {  	_ =	swait.ge [sflag:s22], s20  }
0x9f: {  	s3 =	ssub.s32 $0x0, s20;
	[sflag:s22] =	ssyncset.done $0x0  }
0xa0: {  	[sflag:s22] =	ssyncadd.s32 s3;
	_ =	sdelay $0x1  }
0xa1: {  	s23 =	simm.s32 $0x1B8B  }
0xa2: {  	_ =	swait.ge [sflag:s23], $0x1  }
0xa3: {  	[sflag:s23] =	ssyncset.done $0x0  }
0xa4: {  	s25 =	simm.s32 $0x1B8E;
	s24 =	sld [smem:$0x3FFE];
	[sflag:s23] =	ssyncadd.s32 $0xFFFFFFFF  }
0xa5: {  	s26 =	simm.s32 $execute0_lowered;
	[smem:$0x3FD2] =	sst s25  }
0xa6: {  	s4 =	sshll.u32 s26, $0x1;
	_ =	strace $0x80000049;
	[dreg:$0x1] =	wrdreg $0xFFFFFFFF  }
0xa7: {  	s28 =	simm.s32 $_size_execute0_lowered;
	s2 =	sadd.s32 s2, s4;
	[dreg:$0x0] =	wrdreg $0x0  }
0xa8: {  	s4 =	sshll.u32 s28, $0x1;
	[dreg:$0x2] =	wrdreg s2  }
0xa9: {  	[dreg:$0x3] =	wrdreg s4  }
0xaa: {  	[dreg:$0x4] =	wrdreg $0xC0  }
0xab: {  	_ =	task [dreg:s6], $0x5FFFF  }
0xac: {  	[dreg:$0x1] =	wrdreg $0xFFFFFFFF  }
0xad: {  	[dreg:$0x0] =	wrdreg $0x60  }
0xae: {  	[dreg:$0x2] =	wrdreg s24  }
0xaf: {  	[dreg:$0x3] =	wrdreg $0xA8000  }
0xb0: {  	[dreg:$0x4] =	wrdreg $0x9  }
0xb1: {  	_ =	task.clear_ibuf [dreg:s6], $0x5FFFF;
	_ =	strace $0x90000049  }
0xb2: {  	s29 =	simm.s32 $0x9;
	_ =	strace $0x8000004B  }
0xb3: {  	_ =	swait.ge [sflag:s29], $0x1  }
0xb4: {  	[sflag:s29] =	ssyncadd.s32 $0xFFFFFFFF  }
0xb5: {  	_ =	strace $0x9000004B  }
0xb6: {  	_ =	sfence  }
0xb7: {  	s30 =	sld [smem:$0x0];
	_ =	sdelay $0x2  }
0xb8: {  	s31 =	sshll.u32 s1, $0xD;
	s1 =	sshrl.u32 s1, $0x2  }
0xb9: {  	s3 =	sand.u32 $0x4000, s31;
	s1 =	sadd.s32 s1, s30  }
0xba: {  	s0 =	sor.u32 s3, s0;
	s1 =	sshll.u32 s1, $0x11  }
0xbb: {  	s0 =	sor.u32 s1, s0  }
0xbc: {  	s0 =	sadd.s32 $0x8F2B, s0  }
0xbd: {  	[sflag:s0] =	ssyncadd.remote.s32 $0x1  }
0xbe: {  	_ =	sfence.sel $0xFFFF  }
0xbf: {  	[dreg:$0x0] =	wrdreg $0xFFFFFFFF;
	(pc) =	sbr.abs _section_cstart, $3  }
0xc0: {  	[dreg:$0x1] =	wrdreg $0xFFFFFFFF  }
0xc1: {  	_ =	task.clear_ibuf [dreg:s6], $0x2FFFF;
	_ =	strace $0x9FFFFFFF  }
0xc2: {  	(tm) =	ssettm $0x7FFFFFFF  }
0xc3: {  	_ =	shalt  }
tec
execute0_lowered:
.L_overlay_start_1:
0x0: {  	(tag) =	ssettag $0x1  }
0x1: {  	s5 =	rddreg [dreg:$0x0]  }
0x2: {  	s1 =	rddreg [dreg:$0x1]  }
0x3: {  	s0 =	rddreg [dreg:$0x2];
	s3 =	simm.s32 $0x0;
	s4 =	srdreg.scid  }
0x4: {  	s2 =	stileid.u32;
	s14 =	simm.s32 $0x50;
	s15 =	simm.s32 $0x8000  }
0x5: {  	s16 =	simm.s32 $0x1;
	s17 =	simm.s32 $0x0;
	[smem:$0x7FF] =	sst s3  }
0x6: {  	s6 =	sand.u32 $0x1, s4;
	s26 =	sshll.u32 s2, $0xC;
	s8 =	smul.u32 $0x13C00, s2  }
0x7: {  	s4 =	sadd.s32 $0x4E000, s5;
	s29 =	smul.u32 $0x4F000, s2;
	s31 =	sshll.u32 s2, $0x6  }
0x8: {  	s7 =	sshll.u32 s6, $0xB;
	_ =	strace $0x8000004A;
	s9 =	smul.u32 $0x13C000, s6  }
0x9: {  	s6 =	ssub.s32 $0x2, s6;
	s7 =	sor.u32 s7, s26;
	s28 =	sshrl.u32 s8, $0x3  }
0xa: {  	s11 =	sshrl.u32 s6, $0x1;
	s30 =	sshrl.u32 s29, $0x2;
	s10 =	sadd.s32 s7, s5  }
0xb: {  	s8 =	sadd.s32 s8, s9;
	s7 =	sadd.s32 s28, s5;
	s11 =	ssub.s32 s6, s11  }
0xc: {  	s13 =	sadd.s32 s30, s1;
	s6 =	sor.u32 $0x1C02, s31;
	s8 =	sshrl.u32 s8, $0x3  }
0xd: {  	s12 =	sadd.s32 s8, s5;
	s5 =	sadd.s32 $0x26800, s7;
	s7 =	sadd.s32 $0x6800, s10  }
0xe: {  	s8 =	sadd.s32 $0x16800, s10;
	s10 =	smax.u32 s11, $0x1;
	s11 =	sshrl.u32 s13, $0x3  }
0xf: {  	s13 =	simm.s32 $0x4000;
	s9 =	sadd.s32 $0x75200, s12;
	s12 =	simm.s32 $0x2  }
.LBB2_1:
0x10: {  	[spmem:s11], [sflag:s6] =	dma.local [hbm:s5], $0x2780  }
0x11: {  	_ =	swait.ge [sflag:s12], $0x2780  }
0x12: {  	[sflag:s12] =	ssyncset.done $0x0  }
0x13: {  	[sflag:s12] =	ssyncadd.s32 $0xFFFFD880  }
0x14: {  	[tilespmem:s3], [sflag:$0x2] =	stream.linear.gather [hbm4b:s7+s3], $0x3E80, $0x38;
	[tilespmem:$0x1E400] =	vst v63  }
0x15: {  	_ =	swait.ge [sflag:s12], $0x3E80  }
0x16: {  	[sflag:s12] =	ssyncset.done $0x0  }
0x17: {  	[sflag:s12] =	ssyncadd.s32 $0xFFFFC180  }
0x18: {  	[tilespmem:s13], [sflag:$0x2] =	stream.linear.gather [hbm4b:s8+s3], $0x3E80, $0x38;
	[tilespmem:$0x1E400] =	vst v63  }
0x19: {  	_ =	swait.ge [sflag:s12], $0x3E80  }
0x1a: {  	[sflag:s12] =	ssyncset.done $0x0  }
0x1b: {  	[sflag:s12] =	ssyncadd.s32 $0xFFFFC180  }
0x1c: {  	s18 =	simm.s32 $0x0;
	[bflag:$0x0] =	sbarrier.arrive $0xFFFF  }
0x1d: {  	[tilespmem:s15], [sflag:$0x1] =	stream.indirect.gather [hbm4b:s4+s14], $0x80, s18, s14, $0xb8;
	[tilespmem:$0x1E400] =	vst v63  }
0x1e: {  	_ =	swait.ge [sflag:s16], $0x2800  }
0x1f: {  	[sflag:s16] =	ssyncset.done $0x0  }
0x20: {  	s31 =	simm.s32 $0x4000;
	[sflag:s16] =	ssyncadd.s32 $0xFFFFD800  }
0x21: {  	[spmem:s1] =	stream.indirect.scatter.add.f32 [tilespmem:s15], [sflag:$0x2], $0x80, s31, s14, $0xb8;
	[tilespmem:$0x1E400] =	vst v63  }
0x22: {  	_ =	swait.ge [sflag:s12], $0x2800  }
0x23: {  	s19 =	simm.s32 $0x400;
	s18 =	simm.s32 $0x200;
	[sflag:s12] =	ssyncset.done $0x0  }
.LBB2_2:
0x24: {  	s20 =	sshra.s32 s18, $0x2  }
0x25: {  	[sflag:s12] =	ssyncadd.s32 $0xFFFFD800;
	s18 =	smov.u32 s19;
	s21 =	sadd.s32 $0x200, s19  }
0x26: {  	[tilespmem:s15], [sflag:$0x1] =	stream.indirect.gather [hbm4b:s4+s14], $0x80, s20, s14, $0xb8;
	[tilespmem:$0x1E400] =	vst v63  }
0x27: {  	p0 =	sne.s32 s19, $0xF800;
	_ =	swait.ge [sflag:s16], $0x2800  }
.Ltmp0:
0x28: {  	[sflag:s16] =	ssyncset.done $0x0;
	(pc) =	sbr.rel @p0 .LBB2_2-.Ltmp0, $4  }
0x29: {  	s19 =	sadd.s32 $0x4000, s20;
	[sflag:s16] =	ssyncadd.s32 $0xFFFFD800  }
0x2a: {  	[spmem:s1] =	stream.indirect.scatter.add.f32 [tilespmem:s15], [sflag:$0x2], $0x80, s19, s14, $0xb8;
	[tilespmem:$0x1E400] =	vst v63  }
0x2b: {  	_ =	swait.ge [sflag:s12], $0x2800  }
0x2c: {  	s19 =	smov.u32 s21;
	[sflag:s12] =	ssyncset.done $0x0  }
0x2d: {  	s18 =	sshra.s32 s18, $0x2;
	[sflag:s12] =	ssyncadd.s32 $0xFFFFD800  }
0x2e: {  	[tilespmem:s15], [sflag:$0x1] =	stream.indirect.gather [hbm4b:s4+s14], $0x80, s18, s14, $0xb8;
	[tilespmem:$0x1E400] =	vst v63  }
0x2f: {  	_ =	swait.ge [sflag:s16], $0x2800  }
0x30: {  	[sflag:s16] =	ssyncset.done $0x0  }
0x31: {  	s18 =	sadd.s32 $0x4000, s18;
	[sflag:s16] =	ssyncadd.s32 $0xFFFFD800  }
0x32: {  	[spmem:s1] =	stream.indirect.scatter.add.f32 [tilespmem:s15], [sflag:$0x2], $0x80, s18, s14, $0xb8;
	[tilespmem:$0x1E400] =	vst v63  }
0x33: {  	_ =	swait.ge [sflag:s12], $0x2800  }
0x34: {  	s17 =	sadd.s32 $0x1, s17;
	[sflag:s12] =	ssyncset.done $0x0  }
0x35: {  	p0 =	sne.s32 s17, s10;
	[sflag:s12] =	ssyncadd.s32 $0xFFFFD800  }
.Ltmp1:
0x36: {  	[bflag:$0x0] =	sbarrier.arrive $0xFFFF;
	(pc) =	sbr.rel @p0 .LBB2_1-.Ltmp1, $4  }
0x37: {  	[hbm:s9], [sflag:s6] =	dma.local [spmem:s11], $0x2780  }
0x38: {  	_ =	swait.ge [sflag:s12], $0x2780  }
0x39: {  	[sflag:s12] =	ssyncset.done $0x0  }
0x3a: {  	[sflag:s12] =	ssyncadd.s32 $0xFFFFD880  }
0x3b: {  	_ =	sfence.sel $0x180000  }
0x3c: {  	[bflag:$0x0] =	sbarrier.arrive $0xFFFF  }
0x3d: {  	p0 =	sne.s32 s2, $0x0;
	_ =	strace $0x9000004A  }
0x3e: {  	s0 =	sadd.s32 @!p0 $0x100000, s0;
	[bflag:$0x2] =	sbarrier.arrive $0xFFFF  }
0x3f: {  	[sflag:s0] =	ssyncadd.tile.s32 @!p0 $0x1;
	_ =	shalt  }
.Lfunc_end2:
_tile_overlayer_lowered:
.L_overlay_start_2:
0x40: {  	(tag) =	ssettag $0x2  }
0x41: {  	s0 =	rddreg [dreg:$0x0];
	s2 =	stileid.u32  }
0x42: {  	s1 =	rddreg [dreg:$0x1];
	p0 =	sne.s32 s2, $0x0  }
0x43: {  	s3 =	rddreg [dreg:$0x2];
	[bflag:$0x3] =	sbarrier.arrive $0xFFFF;
	s2 =	simm.s32 @!p0 $0x1C02  }
0x44: {  	[timem:s3], [sflag:s2] =	dma.local @!p0 [hbm:s0], s1  }
0x45: {  	s0 =	simm.s32 @!p0 $0x2  }
0x46: {  	_ =	swait.ge @!p0 [sflag:s0], s1  }
0x47: {  	s1 =	ssub.s32 @!p0 $0x0, s1;
	[sflag:s0] =	ssyncset.done @!p0 $0x0  }
0x48: {  	[sflag:s0] =	ssyncadd.s32 @!p0 s1  }
0x49: {  	[bflag:$0x3] =	sbarrier.arrive $0xFFFF  }
0x4a: {  	_ =	shalt  }

// kernel: kernel.15.cloned.1.call-start
scs
__scs_entry_jumppad:
0x0: {  	(pc) =	sbr.rel $0x88, $3  }
0x1: {  	(tag) =	ssettag $0x0;
	lr =	simm.s32 $0x1  }
0x2: {  	[smem:$0x3F7E] =	sst lr;
	_ =	strace $0xD0000000  }
0x3: {  	_ = 	snop  }
0x4: {  	_ = 	snop  }
0x5: {  	_ = 	snop  }
0x6: {  	_ = 	snop  }
0x7: {  	_ = 	snop  }
__scs_overlays_trampoline_lowered:
0x8: {  	[smem:$0x3F8D] =	sst s0  }
0x9: {  	[smem:$0x3F8E] =	sst s1  }
0xa: {  	[smem:$0x3F8F] =	sst s2  }
0xb: {  	[smem:$0x3F90] =	sst s3  }
0xc: {  	[smem:$0x3F91] =	sst s4  }
0xd: {  	[smem:$0x3F92] =	sst s5  }
0xe: {  	[smem:$0x3F93] =	sst s6  }
0xf: {  	[smem:$0x3F94] =	sst s7  }
0x10: {  	[smem:$0x3F95] =	sst s8  }
0x11: {  	[smem:$0x3F96] =	sst s9;
	s0 =	simm.s32 @!p0 $0x0  }
0x12: {  	s1 =	sld [smem:$0x3F7C];
	s0 =	simm.s32 @p0 $0x1  }
0x13: {  	[smem:$0x3F97] =	sst s0;
	s0 =	simm.s32 @!p1 $0x0  }
0x14: {  	s2 =	sld [smem:$0x3F7B];
	s0 =	simm.s32 @p1 $0x1  }
0x15: {  	[smem:$0x3F98] =	sst s0;
	s0 =	simm.s32 @!p2 $0x0  }
0x16: {  	s3 =	sld [smem:$0x3FDB];
	s0 =	simm.s32 @p2 $0x1  }
0x17: {  	s4 =	simm.s32 $0x1BF5;
	[smem:$0x3F9A] =	sst s0  }
0x18: {  	s0 =	sld [smem:$0x3F7D];
	_ =	swait.ge [sflag:s4], $0x0  }
0x19: {  	s7 =	sld [smem:$0x3F7E]  }
0x1a: {  	s8 =	sadd.s32 $0xFFFFE003, lr  }
0x1b: {  	s9 =	sadd.s32 $0xFFFFFEF7, lr;
	s5 =	simm.s32 $0xFFFFFFFF;
	p2 =	slt.u32 s8, $0xFFFFF086  }
0x1c: {  	p1 =	slt.u32 s9, $0xF7A;
	s5 =	simm.s32 @!p2 $0x0  }
0x1d: {  	s5 =	simm.s32 @p1 $0x1;
	p0 =	seq.s32 s7, s2  }
0x1e: {  	s7 =	smul.u32 @!p0 $0xF7A, s2;
	p2 =	seq.s32 @!p0 s5, $0x0  }
0x1f: {  	s9 =	smul.u32 $0xF7A, s1;
	s8 =	simm.s32 @!p0 $0x1BF5;
	p2 =	por !p2, p0  }
0x20: {  	[sflag:s8] =	ssyncset.s32 @!p0 $0xFFFFF086;
	s6 =	sadd.s32 @!p0 s3, s7;
	s7 =	simm.s32 @!p0 $0x108  }
0x21: {  	s3 =	sadd.s32 s3, s9;
	s6 =	sadd.s32 @!p0 $0x88, s6;
	s7 =	simm.s32 @p2 $0x1082  }
0x22: {  	[simem:s7], [sflag:s8] =	dma.local @!p0 [hbm:s6], $0xF7A  }
0x23: {  	s9 =	sor.u32 $0xD0000000, s2;
	s6 =	simm.s32 $0x108;
	_ =	swait.ge @!p0 [sflag:s8], $0x0  }
0x24: {  	s3 =	sadd.s32 $0x88, s3;
	s6 =	simm.s32 @!p1 $0x1082;
	[sflag:s4] =	ssyncset.s32 $0xFFFFF086  }
0x25: {  	[simem:s6], [sflag:s4] =	dma.local [hbm:s3], $0xF7A  }
0x26: {  	[smem:$0x3F7E] =	sst s1;
	(tag) =	ssettag s2;
	_ =	strace s9  }
0x27: {  	s1 =	sld [smem:$0x3F8E]  }
0x28: {  	s2 =	sld [smem:$0x3F8F]  }
0x29: {  	s4 =	sld [smem:$0x3F91]  }
0x2a: {  	p0 =	seq.s32 s5, $0x0;
	s5 =	sld [smem:$0x3F92]  }
0x2b: {  	s6 =	sld [smem:$0x3F93]  }
0x2c: {  	s7 =	sld [smem:$0x3F94]  }
0x2d: {  	s3 =	simm.s32 $0x108;
	s8 =	sld [smem:$0x3F95]  }
0x2e: {  	s3 =	simm.s32 @!p0 $0x1082;
	s9 =	sld [smem:$0x3F96]  }
0x2f: {  	lr =	sadd.s32 s0, s3;
	s0 =	sld [smem:$0x3F8D]  }
0x30: {  	s3 =	sld [smem:$0x3F90]  }
0x31: {  	[smem:$0x3F99] =	sst s10  }
0x32: {  	s10 =	sld [smem:$0x3F97];
	_ =	sdelay $0x3  }
0x33: {  	p0 =	seq.s32 s10, $0x1;
	s10 =	sld [smem:$0x3F99];
	_ =	sdelay $0x3  }
0x34: {  	[smem:$0x3F99] =	sst s10  }
0x35: {  	s10 =	sld [smem:$0x3F98];
	_ =	sdelay $0x3  }
0x36: {  	p1 =	seq.s32 s10, $0x1;
	s10 =	sld [smem:$0x3F99];
	_ =	sdelay $0x3  }
0x37: {  	[smem:$0x3F99] =	sst s10  }
0x38: {  	s10 =	sld [smem:$0x3F9A]  }
0x39: {  	_ = 	snop;
	(pc) =	sbr.ind lr, $3  }
0x3a: {  	_ = 	snop  }
0x3b: {  	_ = 	snop  }
0x3c: {  	p2 =	seq.s32 s10, $0x1;
	s10 =	sld [smem:$0x3F99]  }
0x3d: {  	_ =	shalt  }
0x3e: {  	_ =	shalt  }
0x3f: {  	_ =	shalt  }
0x40: {  	_ =	shalt  }
0x41: {  	_ =	shalt  }
0x42: {  	_ =	shalt  }
0x43: {  	_ =	shalt  }
0x44: {  	_ =	shalt  }
0x45: {  	_ =	shalt  }
0x46: {  	_ =	shalt  }
0x47: {  	_ =	shalt  }
0x48: {  	_ =	shalt  }
0x49: {  	_ =	shalt  }
0x4a: {  	_ =	shalt  }
0x4b: {  	_ =	shalt  }
0x4c: {  	_ =	shalt  }
0x4d: {  	_ =	shalt  }
0x4e: {  	_ =	shalt  }
0x4f: {  	_ =	shalt  }
0x50: {  	_ =	shalt  }
0x51: {  	_ =	shalt  }
0x52: {  	_ =	shalt  }
0x53: {  	_ =	shalt  }
0x54: {  	_ =	shalt  }
0x55: {  	_ =	shalt  }
0x56: {  	_ =	shalt  }
0x57: {  	_ =	shalt  }
0x58: {  	_ =	shalt  }
0x59: {  	_ =	shalt  }
0x5a: {  	_ =	shalt  }
0x5b: {  	_ =	shalt  }
0x5c: {  	_ =	shalt  }
0x5d: {  	_ =	shalt  }
0x5e: {  	_ =	shalt  }
0x5f: {  	_ =	shalt  }
0x60: {  	_ =	shalt  }
0x61: {  	_ =	shalt  }
0x62: {  	_ =	shalt  }
0x63: {  	_ =	shalt  }
0x64: {  	_ =	shalt  }
0x65: {  	_ =	shalt  }
0x66: {  	_ =	shalt  }
0x67: {  	_ =	shalt  }
0x68: {  	_ =	shalt  }
0x69: {  	_ =	shalt  }
0x6a: {  	_ =	shalt  }
0x6b: {  	_ =	shalt  }
0x6c: {  	_ =	shalt  }
0x6d: {  	_ =	shalt  }
0x6e: {  	_ =	shalt  }
0x6f: {  	_ =	shalt  }
0x70: {  	_ =	shalt  }
0x71: {  	_ =	shalt  }
0x72: {  	_ =	shalt  }
0x73: {  	_ =	shalt  }
0x74: {  	_ =	shalt  }
0x75: {  	_ =	shalt  }
0x76: {  	_ =	shalt  }
0x77: {  	_ =	shalt  }
0x78: {  	_ =	shalt  }
0x79: {  	_ =	shalt  }
0x7a: {  	_ =	shalt  }
0x7b: {  	_ =	shalt  }
0x7c: {  	_ =	shalt  }
0x7d: {  	_ =	shalt  }
0x7e: {  	_ =	shalt  }
0x7f: {  	_ =	shalt  }
0x80: {  	_ =	shalt  }
0x81: {  	_ =	shalt  }
0x82: {  	_ =	shalt  }
0x83: {  	_ =	shalt  }
0x84: {  	_ =	shalt  }
0x85: {  	_ =	shalt  }
0x86: {  	_ =	shalt  }
0x87: {  	_ =	shalt  }
.Lfunc_end0:
.L_simem_size_0:
called_computation.2_lowered:
.L_overlay_start_0:
0x88: {  	s2 =	sld [smem:$0x3FD9]  }
0x89: {  	s3 =	sld [smem:$0x3FFE];
	_ =	sdelay $0x1  }
0x8a: {  	s1 =	srdreg.scid  }
0x8b: {  	s0 =	sand.u32 $0x1, s1  }
0x8c: {  	s16 =	sshll.u32 s0, $0xA;
	s2 =	sadd.s32 s3, s2  }
0x8d: {  	s2 =	sadd.s32 s2, s16  }
0x8e: {  	[smem:$0x3FA5] =	sst s2  }
0x8f: {  	_ = 	snop  }
0x90: {  	(tm) =	ssettm $0x1  }
0x91: {  	s17 =	sld [smem:$0x3FFB];
	_ =	sdelay $0x3  }
0x92: {  	_ =	strace s17  }
0x93: {  	s2 =	sld [smem:$0x3FFC];
	_ =	sdelay $0x3  }
0x94: {  	_ =	strace s2  }
0x95: {  	s2 =	sld [smem:$0x3FFD];
	_ =	sdelay $0x3  }
0x96: {  	_ =	strace s2  }
0x97: {  	_ =	strace $0x8FFFFFFF  }
0x98: {  	s18 =	sld [smem:$0x3FDB];
	_ =	sdelay $0x1  }
0x99: {  	s19 =	simm.s32 $_scs_section_size  }
0x9a: {  	s4 =	simm.s32 $_size__tile_overlayer_lowered;
	s5 =	simm.s32 $_tile_overlayer_lowered  }
0x9b: {  	s22 =	simm.s32 $0x1BFF;
	s21 =	sshll.u32 s5, $0x1;
	s2 =	sadd.s32 s19, s18  }
0x9c: {  	s6 =	simm.s32 $0x0;
	s20 =	sshll.u32 s4, $0x1;
	s4 =	sadd.s32 s21, s2  }
0x9d: {  	[timem:s6], [sflag:s22] =	dma.local [hbm:s4], s20  }
0x9e: {  	_ =	swait.ge [sflag:s22], s20  }
0x9f: {  	s3 =	ssub.s32 $0x0, s20;
	[sflag:s22] =	ssyncset.done $0x0  }
0xa0: {  	[sflag:s22] =	ssyncadd.s32 s3;
	_ =	sdelay $0x1  }
0xa1: {  	s23 =	simm.s32 $0x1B8B  }
0xa2: {  	_ =	swait.ge [sflag:s23], $0x1  }
0xa3: {  	[sflag:s23] =	ssyncset.done $0x0  }
0xa4: {  	s25 =	simm.s32 $0x1B8E;
	s24 =	sld [smem:$0x3FFE];
	[sflag:s23] =	ssyncadd.s32 $0xFFFFFFFF  }
0xa5: {  	s26 =	simm.s32 $execute0_lowered;
	[smem:$0x3FD2] =	sst s25  }
0xa6: {  	s4 =	sshll.u32 s26, $0x1;
	_ =	strace $0x8000004C;
	[dreg:$0x1] =	wrdreg $0xFFFFFFFF  }
0xa7: {  	s28 =	simm.s32 $_size_execute0_lowered;
	s2 =	sadd.s32 s2, s4;
	[dreg:$0x0] =	wrdreg $0x0  }
0xa8: {  	s4 =	sshll.u32 s28, $0x1;
	[dreg:$0x2] =	wrdreg s2  }
0xa9: {  	[dreg:$0x3] =	wrdreg s4  }
0xaa: {  	[dreg:$0x4] =	wrdreg $0xC0  }
0xab: {  	_ =	task [dreg:s6], $0x5FFFF  }
0xac: {  	[dreg:$0x1] =	wrdreg $0xFFFFFFFF  }
0xad: {  	[dreg:$0x0] =	wrdreg $0x60  }
0xae: {  	[dreg:$0x2] =	wrdreg s24  }
0xaf: {  	[dreg:$0x3] =	wrdreg $0xA8000  }
0xb0: {  	[dreg:$0x4] =	wrdreg $0x9  }
0xb1: {  	_ =	task.clear_ibuf [dreg:s6], $0x5FFFF;
	_ =	strace $0x9000004C  }
0xb2: {  	s29 =	simm.s32 $0x9;
	_ =	strace $0x8000004E  }
0xb3: {  	_ =	swait.ge [sflag:s29], $0x1  }
0xb4: {  	[sflag:s29] =	ssyncadd.s32 $0xFFFFFFFF  }
0xb5: {  	_ =	strace $0x9000004E  }
0xb6: {  	_ =	sfence  }
0xb7: {  	s30 =	sld [smem:$0x0];
	_ =	sdelay $0x2  }
0xb8: {  	s31 =	sshll.u32 s1, $0xD;
	s1 =	sshrl.u32 s1, $0x2  }
0xb9: {  	s3 =	sand.u32 $0x4000, s31;
	s1 =	sadd.s32 s1, s30  }
0xba: {  	s0 =	sor.u32 s3, s0;
	s1 =	sshll.u32 s1, $0x11  }
0xbb: {  	s0 =	sor.u32 s1, s0  }
0xbc: {  	s0 =	sadd.s32 $0x8F2B, s0  }
0xbd: {  	[sflag:s0] =	ssyncadd.remote.s32 $0x1  }
0xbe: {  	_ =	sfence.sel $0xFFFF  }
0xbf: {  	[dreg:$0x0] =	wrdreg $0xFFFFFFFF;
	(pc) =	sbr.abs _section_cstart, $3  }
0xc0: {  	[dreg:$0x1] =	wrdreg $0xFFFFFFFF  }
0xc1: {  	_ =	task.clear_ibuf [dreg:s6], $0x2FFFF;
	_ =	strace $0x9FFFFFFF  }
0xc2: {  	(tm) =	ssettm $0x7FFFFFFF  }
0xc3: {  	_ =	shalt  }
tec
execute0_lowered:
.L_overlay_start_1:
0x0: {  	(tag) =	ssettag $0x1  }
0x1: {  	s5 =	rddreg [dreg:$0x0]  }
0x2: {  	s1 =	rddreg [dreg:$0x1]  }
0x3: {  	s0 =	rddreg [dreg:$0x2];
	s3 =	simm.s32 $0x0;
	s4 =	srdreg.scid  }
0x4: {  	s2 =	stileid.u32;
	s14 =	simm.s32 $0x50;
	s15 =	simm.s32 $0x8000  }
0x5: {  	s16 =	simm.s32 $0x1;
	s17 =	simm.s32 $0x0;
	[smem:$0x7FF] =	sst s3  }
0x6: {  	s6 =	sand.u32 $0x1, s4;
	s26 =	sshll.u32 s2, $0xC;
	s8 =	smul.u32 $0x13C00, s2  }
0x7: {  	s4 =	sadd.s32 $0x4E000, s5;
	s29 =	smul.u32 $0x4F000, s2;
	s31 =	sshll.u32 s2, $0x6  }
0x8: {  	s7 =	sshll.u32 s6, $0xB;
	_ =	strace $0x8000004D;
	s9 =	smul.u32 $0x13C000, s6  }
0x9: {  	s6 =	ssub.s32 $0x2, s6;
	s7 =	sor.u32 s7, s26;
	s28 =	sshrl.u32 s8, $0x3  }
0xa: {  	s11 =	sshrl.u32 s6, $0x1;
	s30 =	sshrl.u32 s29, $0x2;
	s10 =	sadd.s32 s7, s5  }
0xb: {  	s8 =	sadd.s32 s8, s9;
	s7 =	sadd.s32 s28, s5;
	s11 =	ssub.s32 s6, s11  }
0xc: {  	s13 =	sadd.s32 s30, s1;
	s6 =	sor.u32 $0x1C02, s31;
	s8 =	sshrl.u32 s8, $0x3  }
0xd: {  	s12 =	sadd.s32 s8, s5;
	s5 =	sadd.s32 $0x26800, s7;
	s7 =	sadd.s32 $0x6800, s10  }
0xe: {  	s8 =	sadd.s32 $0x16800, s10;
	s10 =	smax.u32 s11, $0x1;
	s11 =	sshrl.u32 s13, $0x3  }
0xf: {  	s13 =	simm.s32 $0x4000;
	s9 =	sadd.s32 $0x75200, s12;
	s12 =	simm.s32 $0x2  }
.LBB2_1:
0x10: {  	[spmem:s11], [sflag:s6] =	dma.local [hbm:s5], $0x2780  }
0x11: {  	_ =	swait.ge [sflag:s12], $0x2780  }
0x12: {  	[sflag:s12] =	ssyncset.done $0x0  }
0x13: {  	[sflag:s12] =	ssyncadd.s32 $0xFFFFD880  }
0x14: {  	[tilespmem:s3], [sflag:$0x2] =	stream.linear.gather [hbm4b:s7+s3], $0x3E80, $0x38;
	[tilespmem:$0x1E400] =	vst v63  }
0x15: {  	_ =	swait.ge [sflag:s12], $0x3E80  }
0x16: {  	[sflag:s12] =	ssyncset.done $0x0  }
0x17: {  	[sflag:s12] =	ssyncadd.s32 $0xFFFFC180  }
0x18: {  	[tilespmem:s13], [sflag:$0x2] =	stream.linear.gather [hbm4b:s8+s3], $0x3E80, $0x38;
	[tilespmem:$0x1E400] =	vst v63  }
0x19: {  	_ =	swait.ge [sflag:s12], $0x3E80  }
0x1a: {  	[sflag:s12] =	ssyncset.done $0x0  }
0x1b: {  	[sflag:s12] =	ssyncadd.s32 $0xFFFFC180  }
0x1c: {  	s18 =	simm.s32 $0x0;
	[bflag:$0x0] =	sbarrier.arrive $0xFFFF  }
0x1d: {  	[tilespmem:s15], [sflag:$0x1] =	stream.indirect.gather [hbm4b:s4+s14], $0x80, s18, s14, $0xb8;
	[tilespmem:$0x1E400] =	vst v63  }
0x1e: {  	_ =	swait.ge [sflag:s16], $0x2800  }
0x1f: {  	[sflag:s16] =	ssyncset.done $0x0  }
0x20: {  	s31 =	simm.s32 $0x4000;
	[sflag:s16] =	ssyncadd.s32 $0xFFFFD800  }
0x21: {  	[spmem:s1] =	stream.indirect.scatter.add.f32 [tilespmem:s15], [sflag:$0x2], $0x80, s31, s14, $0xb8;
	[tilespmem:$0x1E400] =	vst v63  }
0x22: {  	_ =	swait.ge [sflag:s12], $0x2800  }
0x23: {  	s19 =	simm.s32 $0x400;
	s18 =	simm.s32 $0x200;
	[sflag:s12] =	ssyncset.done $0x0  }
.LBB2_2:
0x24: {  	s20 =	sshra.s32 s18, $0x2  }
0x25: {  	[sflag:s12] =	ssyncadd.s32 $0xFFFFD800;
	s18 =	smov.u32 s19;
	s21 =	sadd.s32 $0x200, s19  }
0x26: {  	[tilespmem:s15], [sflag:$0x1] =	stream.indirect.gather [hbm4b:s4+s14], $0x80, s20, s14, $0xb8;
	[tilespmem:$0x1E400] =	vst v63  }
0x27: {  	p0 =	sne.s32 s19, $0xF800;
	_ =	swait.ge [sflag:s16], $0x2800  }
.Ltmp0:
0x28: {  	[sflag:s16] =	ssyncset.done $0x0;
	(pc) =	sbr.rel @p0 .LBB2_2-.Ltmp0, $4  }
0x29: {  	s19 =	sadd.s32 $0x4000, s20;
	[sflag:s16] =	ssyncadd.s32 $0xFFFFD800  }
0x2a: {  	[spmem:s1] =	stream.indirect.scatter.add.f32 [tilespmem:s15], [sflag:$0x2], $0x80, s19, s14, $0xb8;
	[tilespmem:$0x1E400] =	vst v63  }
0x2b: {  	_ =	swait.ge [sflag:s12], $0x2800  }
0x2c: {  	s19 =	smov.u32 s21;
	[sflag:s12] =	ssyncset.done $0x0  }
0x2d: {  	s18 =	sshra.s32 s18, $0x2;
	[sflag:s12] =	ssyncadd.s32 $0xFFFFD800  }
0x2e: {  	[tilespmem:s15], [sflag:$0x1] =	stream.indirect.gather [hbm4b:s4+s14], $0x80, s18, s14, $0xb8;
	[tilespmem:$0x1E400] =	vst v63  }
0x2f: {  	_ =	swait.ge [sflag:s16], $0x2800  }
0x30: {  	[sflag:s16] =	ssyncset.done $0x0  }
0x31: {  	s18 =	sadd.s32 $0x4000, s18;
	[sflag:s16] =	ssyncadd.s32 $0xFFFFD800  }
0x32: {  	[spmem:s1] =	stream.indirect.scatter.add.f32 [tilespmem:s15], [sflag:$0x2], $0x80, s18, s14, $0xb8;
	[tilespmem:$0x1E400] =	vst v63  }
0x33: {  	_ =	swait.ge [sflag:s12], $0x2800  }
0x34: {  	s17 =	sadd.s32 $0x1, s17;
	[sflag:s12] =	ssyncset.done $0x0  }
0x35: {  	p0 =	sne.s32 s17, s10;
	[sflag:s12] =	ssyncadd.s32 $0xFFFFD800  }
.Ltmp1:
0x36: {  	[bflag:$0x0] =	sbarrier.arrive $0xFFFF;
	(pc) =	sbr.rel @p0 .LBB2_1-.Ltmp1, $4  }
0x37: {  	[hbm:s9], [sflag:s6] =	dma.local [spmem:s11], $0x2780  }
0x38: {  	_ =	swait.ge [sflag:s12], $0x2780  }
0x39: {  	[sflag:s12] =	ssyncset.done $0x0  }
0x3a: {  	[sflag:s12] =	ssyncadd.s32 $0xFFFFD880  }
0x3b: {  	_ =	sfence.sel $0x180000  }
0x3c: {  	[bflag:$0x0] =	sbarrier.arrive $0xFFFF  }
0x3d: {  	p0 =	sne.s32 s2, $0x0;
	_ =	strace $0x9000004D  }
0x3e: {  	s0 =	sadd.s32 @!p0 $0x100000, s0;
	[bflag:$0x2] =	sbarrier.arrive $0xFFFF  }
0x3f: {  	[sflag:s0] =	ssyncadd.tile.s32 @!p0 $0x1;
	_ =	shalt  }
.Lfunc_end2:
_tile_overlayer_lowered:
.L_overlay_start_2:
0x40: {  	(tag) =	ssettag $0x2  }
0x41: {  	s0 =	rddreg [dreg:$0x0];
	s2 =	stileid.u32  }
0x42: {  	s1 =	rddreg [dreg:$0x1];
	p0 =	sne.s32 s2, $0x0  }
0x43: {  	s3 =	rddreg [dreg:$0x2];
	[bflag:$0x3] =	sbarrier.arrive $0xFFFF;
	s2 =	simm.s32 @!p0 $0x1C02  }
0x44: {  	[timem:s3], [sflag:s2] =	dma.local @!p0 [hbm:s0], s1  }
0x45: {  	s0 =	simm.s32 @!p0 $0x2  }
0x46: {  	_ =	swait.ge @!p0 [sflag:s0], s1  }
0x47: {  	s1 =	ssub.s32 @!p0 $0x0, s1;
	[sflag:s0] =	ssyncset.done @!p0 $0x0  }
0x48: {  	[sflag:s0] =	ssyncadd.s32 @!p0 s1  }
0x49: {  	[bflag:$0x3] =	sbarrier.arrive $0xFFFF  }
0x4a: {  	_ =	shalt  }

// kernel: kernel.9.cloned.1.call-start
scs
__scs_entry_jumppad:
0x0: {  	(pc) =	sbr.rel $0x88, $3  }
0x1: {  	(tag) =	ssettag $0x0;
	lr =	simm.s32 $0x1  }
0x2: {  	[smem:$0x3F7E] =	sst lr;
	_ =	strace $0xD0000000  }
0x3: {  	_ = 	snop  }
0x4: {  	_ = 	snop  }
0x5: {  	_ = 	snop  }
0x6: {  	_ = 	snop  }
0x7: {  	_ = 	snop  }
__scs_overlays_trampoline_lowered:
0x8: {  	[smem:$0x3F8D] =	sst s0  }
0x9: {  	[smem:$0x3F8E] =	sst s1  }
0xa: {  	[smem:$0x3F8F] =	sst s2  }
0xb: {  	[smem:$0x3F90] =	sst s3  }
0xc: {  	[smem:$0x3F91] =	sst s4  }
0xd: {  	[smem:$0x3F92] =	sst s5  }
0xe: {  	[smem:$0x3F93] =	sst s6  }
0xf: {  	[smem:$0x3F94] =	sst s7  }
0x10: {  	[smem:$0x3F95] =	sst s8  }
0x11: {  	[smem:$0x3F96] =	sst s9;
	s0 =	simm.s32 @!p0 $0x0  }
0x12: {  	s1 =	sld [smem:$0x3F7C];
	s0 =	simm.s32 @p0 $0x1  }
0x13: {  	[smem:$0x3F97] =	sst s0;
	s0 =	simm.s32 @!p1 $0x0  }
0x14: {  	s2 =	sld [smem:$0x3F7B];
	s0 =	simm.s32 @p1 $0x1  }
0x15: {  	[smem:$0x3F98] =	sst s0;
	s0 =	simm.s32 @!p2 $0x0  }
0x16: {  	s3 =	sld [smem:$0x3FDB];
	s0 =	simm.s32 @p2 $0x1  }
0x17: {  	s4 =	simm.s32 $0x1BF5;
	[smem:$0x3F9A] =	sst s0  }
0x18: {  	s0 =	sld [smem:$0x3F7D];
	_ =	swait.ge [sflag:s4], $0x0  }
0x19: {  	s7 =	sld [smem:$0x3F7E]  }
0x1a: {  	s8 =	sadd.s32 $0xFFFFE003, lr  }
0x1b: {  	s9 =	sadd.s32 $0xFFFFFEF7, lr;
	s5 =	simm.s32 $0xFFFFFFFF;
	p2 =	slt.u32 s8, $0xFFFFF086  }
0x1c: {  	p1 =	slt.u32 s9, $0xF7A;
	s5 =	simm.s32 @!p2 $0x0  }
0x1d: {  	s5 =	simm.s32 @p1 $0x1;
	p0 =	seq.s32 s7, s2  }
0x1e: {  	s7 =	smul.u32 @!p0 $0xF7A, s2;
	p2 =	seq.s32 @!p0 s5, $0x0  }
0x1f: {  	s9 =	smul.u32 $0xF7A, s1;
	s8 =	simm.s32 @!p0 $0x1BF5;
	p2 =	por !p2, p0  }
0x20: {  	[sflag:s8] =	ssyncset.s32 @!p0 $0xFFFFF086;
	s6 =	sadd.s32 @!p0 s3, s7;
	s7 =	simm.s32 @!p0 $0x108  }
0x21: {  	s3 =	sadd.s32 s3, s9;
	s6 =	sadd.s32 @!p0 $0x88, s6;
	s7 =	simm.s32 @p2 $0x1082  }
0x22: {  	[simem:s7], [sflag:s8] =	dma.local @!p0 [hbm:s6], $0xF7A  }
0x23: {  	s9 =	sor.u32 $0xD0000000, s2;
	s6 =	simm.s32 $0x108;
	_ =	swait.ge @!p0 [sflag:s8], $0x0  }
0x24: {  	s3 =	sadd.s32 $0x88, s3;
	s6 =	simm.s32 @!p1 $0x1082;
	[sflag:s4] =	ssyncset.s32 $0xFFFFF086  }
0x25: {  	[simem:s6], [sflag:s4] =	dma.local [hbm:s3], $0xF7A  }
0x26: {  	[smem:$0x3F7E] =	sst s1;
	(tag) =	ssettag s2;
	_ =	strace s9  }
0x27: {  	s1 =	sld [smem:$0x3F8E]  }
0x28: {  	s2 =	sld [smem:$0x3F8F]  }
0x29: {  	s4 =	sld [smem:$0x3F91]  }
0x2a: {  	p0 =	seq.s32 s5, $0x0;
	s5 =	sld [smem:$0x3F92]  }
0x2b: {  	s6 =	sld [smem:$0x3F93]  }
0x2c: {  	s7 =	sld [smem:$0x3F94]  }
0x2d: {  	s3 =	simm.s32 $0x108;
	s8 =	sld [smem:$0x3F95]  }
0x2e: {  	s3 =	simm.s32 @!p0 $0x1082;
	s9 =	sld [smem:$0x3F96]  }
0x2f: {  	lr =	sadd.s32 s0, s3;
	s0 =	sld [smem:$0x3F8D]  }
0x30: {  	s3 =	sld [smem:$0x3F90]  }
0x31: {  	[smem:$0x3F99] =	sst s10  }
0x32: {  	s10 =	sld [smem:$0x3F97];
	_ =	sdelay $0x3  }
0x33: {  	p0 =	seq.s32 s10, $0x1;
	s10 =	sld [smem:$0x3F99];
	_ =	sdelay $0x3  }
0x34: {  	[smem:$0x3F99] =	sst s10  }
0x35: {  	s10 =	sld [smem:$0x3F98];
	_ =	sdelay $0x3  }
0x36: {  	p1 =	seq.s32 s10, $0x1;
	s10 =	sld [smem:$0x3F99];
	_ =	sdelay $0x3  }
0x37: {  	[smem:$0x3F99] =	sst s10  }
0x38: {  	s10 =	sld [smem:$0x3F9A]  }
0x39: {  	_ = 	snop;
	(pc) =	sbr.ind lr, $3  }
0x3a: {  	_ = 	snop  }
0x3b: {  	_ = 	snop  }
0x3c: {  	p2 =	seq.s32 s10, $0x1;
	s10 =	sld [smem:$0x3F99]  }
0x3d: {  	_ =	shalt  }
0x3e: {  	_ =	shalt  }
0x3f: {  	_ =	shalt  }
0x40: {  	_ =	shalt  }
0x41: {  	_ =	shalt  }
0x42: {  	_ =	shalt  }
0x43: {  	_ =	shalt  }
0x44: {  	_ =	shalt  }
0x45: {  	_ =	shalt  }
0x46: {  	_ =	shalt  }
0x47: {  	_ =	shalt  }
0x48: {  	_ =	shalt  }
0x49: {  	_ =	shalt  }
0x4a: {  	_ =	shalt  }
0x4b: {  	_ =	shalt  }
0x4c: {  	_ =	shalt  }
0x4d: {  	_ =	shalt  }
0x4e: {  	_ =	shalt  }
0x4f: {  	_ =	shalt  }
0x50: {  	_ =	shalt  }
0x51: {  	_ =	shalt  }
0x52: {  	_ =	shalt  }
0x53: {  	_ =	shalt  }
0x54: {  	_ =	shalt  }
0x55: {  	_ =	shalt  }
0x56: {  	_ =	shalt  }
0x57: {  	_ =	shalt  }
0x58: {  	_ =	shalt  }
0x59: {  	_ =	shalt  }
0x5a: {  	_ =	shalt  }
0x5b: {  	_ =	shalt  }
0x5c: {  	_ =	shalt  }
0x5d: {  	_ =	shalt  }
0x5e: {  	_ =	shalt  }
0x5f: {  	_ =	shalt  }
0x60: {  	_ =	shalt  }
0x61: {  	_ =	shalt  }
0x62: {  	_ =	shalt  }
0x63: {  	_ =	shalt  }
0x64: {  	_ =	shalt  }
0x65: {  	_ =	shalt  }
0x66: {  	_ =	shalt  }
0x67: {  	_ =	shalt  }
0x68: {  	_ =	shalt  }
0x69: {  	_ =	shalt  }
0x6a: {  	_ =	shalt  }
0x6b: {  	_ =	shalt  }
0x6c: {  	_ =	shalt  }
0x6d: {  	_ =	shalt  }
0x6e: {  	_ =	shalt  }
0x6f: {  	_ =	shalt  }
0x70: {  	_ =	shalt  }
0x71: {  	_ =	shalt  }
0x72: {  	_ =	shalt  }
0x73: {  	_ =	shalt  }
0x74: {  	_ =	shalt  }
0x75: {  	_ =	shalt  }
0x76: {  	_ =	shalt  }
0x77: {  	_ =	shalt  }
0x78: {  	_ =	shalt  }
0x79: {  	_ =	shalt  }
0x7a: {  	_ =	shalt  }
0x7b: {  	_ =	shalt  }
0x7c: {  	_ =	shalt  }
0x7d: {  	_ =	shalt  }
0x7e: {  	_ =	shalt  }
0x7f: {  	_ =	shalt  }
0x80: {  	_ =	shalt  }
0x81: {  	_ =	shalt  }
0x82: {  	_ =	shalt  }
0x83: {  	_ =	shalt  }
0x84: {  	_ =	shalt  }
0x85: {  	_ =	shalt  }
0x86: {  	_ =	shalt  }
0x87: {  	_ =	shalt  }
.Lfunc_end0:
.L_simem_size_0:
called_computation_lowered:
.L_overlay_start_0:
0x88: {  	s2 =	sld [smem:$0x3FD9]  }
0x89: {  	s3 =	sld [smem:$0x3FFE];
	_ =	sdelay $0x1  }
0x8a: {  	s1 =	srdreg.scid  }
0x8b: {  	s0 =	sand.u32 $0x1, s1  }
0x8c: {  	s17 =	sshll.u32 s0, $0xA;
	s2 =	sadd.s32 s3, s2  }
0x8d: {  	s2 =	sadd.s32 s2, s17  }
0x8e: {  	[smem:$0x3FA5] =	sst s2  }
0x8f: {  	_ = 	snop  }
0x90: {  	s2 =	sld [smem:$0x3FC9];
	(tm) =	ssettm $0x1  }
0x91: {  	s18 =	sld [smem:$0x3FFB];
	_ =	sdelay $0x3  }
0x92: {  	_ =	strace s18  }
0x93: {  	s3 =	sld [smem:$0x3FFC];
	_ =	sdelay $0x3  }
0x94: {  	_ =	strace s3  }
0x95: {  	s3 =	sld [smem:$0x3FFD];
	_ =	sdelay $0x3  }
0x96: {  	_ =	strace s3  }
0x97: {  	_ =	strace $0x8FFFFFFF  }
0x98: {  	s19 =	sld [smem:$0x3FDB];
	_ =	sdelay $0x1  }
0x99: {  	s4 =	simm.s32 $_scs_section_size  }
0x9a: {  	s5 =	simm.s32 $_size__tile_overlayer_lowered;
	s6 =	simm.s32 $_tile_overlayer_lowered  }
0x9b: {  	s22 =	simm.s32 $0x1BFF;
	s21 =	sshll.u32 s6, $0x1;
	s3 =	sadd.s32 s4, s19  }
0x9c: {  	s7 =	simm.s32 $0x0;
	s20 =	sshll.u32 s5, $0x1;
	s5 =	sadd.s32 s21, s3  }
0x9d: {  	[timem:s7], [sflag:s22] =	dma.local [hbm:s5], s20  }
0x9e: {  	_ =	swait.ge [sflag:s22], s20  }
0x9f: {  	s4 =	ssub.s32 $0x0, s20;
	[sflag:s22] =	ssyncset.done $0x0  }
0xa0: {  	[sflag:s22] =	ssyncadd.s32 s4;
	_ =	sdelay $0x1  }
0xa1: {  	s23 =	simm.s32 $0x1B8B  }
0xa2: {  	_ =	swait.ge [sflag:s23], $0x1  }
0xa3: {  	[sflag:s23] =	ssyncset.done $0x0  }
0xa4: {  	s25 =	simm.s32 $0x1B8E;
	s24 =	sld [smem:$0x3FFE];
	[sflag:s23] =	ssyncadd.s32 $0xFFFFFFFF  }
0xa5: {  	s26 =	simm.s32 $execute0_lowered;
	[smem:$0x3FD2] =	sst s25  }
0xa6: {  	s5 =	sshll.u32 s26, $0x1;
	_ =	strace $0x80000046;
	[dreg:$0x1] =	wrdreg $0xFFFFFFFF  }
0xa7: {  	s28 =	simm.s32 $_size_execute0_lowered;
	s3 =	sadd.s32 s3, s5;
	[dreg:$0x0] =	wrdreg $0x0  }
0xa8: {  	s5 =	sshll.u32 s28, $0x1;
	[dreg:$0x2] =	wrdreg s3  }
0xa9: {  	[dreg:$0x3] =	wrdreg s5  }
0xaa: {  	[dreg:$0x4] =	wrdreg $0xC0  }
0xab: {  	_ =	task [dreg:s7], $0x5FFFF  }
0xac: {  	[dreg:$0x1] =	wrdreg $0xFFFFFFFF  }
0xad: {  	[dreg:$0x0] =	wrdreg $0x60  }
0xae: {  	[dreg:$0x2] =	wrdreg s2  }
0xaf: {  	[dreg:$0x3] =	wrdreg s24  }
0xb0: {  	[dreg:$0x4] =	wrdreg $0xA8000  }
0xb1: {  	[dreg:$0x5] =	wrdreg $0x9  }
0xb2: {  	_ =	task.clear_ibuf [dreg:s7], $0x6FFFF;
	_ =	strace $0x90000046  }
0xb3: {  	s29 =	simm.s32 $0x9;
	_ =	strace $0x80000048  }
0xb4: {  	_ =	swait.ge [sflag:s29], $0x1  }
0xb5: {  	[sflag:s29] =	ssyncadd.s32 $0xFFFFFFFF  }
0xb6: {  	_ =	strace $0x90000048  }
0xb7: {  	_ =	sfence  }
0xb8: {  	s30 =	sld [smem:$0x0];
	_ =	sdelay $0x2  }
0xb9: {  	s31 =	sshll.u32 s1, $0xD;
	s1 =	sshrl.u32 s1, $0x2  }
0xba: {  	s3 =	sand.u32 $0x4000, s31;
	s1 =	sadd.s32 s1, s30  }
0xbb: {  	s0 =	sor.u32 s3, s0;
	s1 =	sshll.u32 s1, $0x11  }
0xbc: {  	s0 =	sor.u32 s1, s0  }
0xbd: {  	s0 =	sadd.s32 $0x8F2B, s0  }
0xbe: {  	[sflag:s0] =	ssyncadd.remote.s32 $0x1  }
0xbf: {  	_ =	sfence.sel $0xFFFF  }
0xc0: {  	[dreg:$0x0] =	wrdreg $0xFFFFFFFF;
	(pc) =	sbr.abs _section_cstart, $3  }
0xc1: {  	[dreg:$0x1] =	wrdreg $0xFFFFFFFF  }
0xc2: {  	_ =	task.clear_ibuf [dreg:s7], $0x2FFFF;
	_ =	strace $0x9FFFFFFF  }
0xc3: {  	(tm) =	ssettm $0x7FFFFFFF  }
tec
execute0_lowered:
.L_overlay_start_1:
0x0: {  	(tag) =	ssettag $0x1  }
0x1: {  	s1 =	rddreg [dreg:$0x0]  }
0x2: {  	s5 =	rddreg [dreg:$0x1]  }
0x3: {  	s3 =	rddreg [dreg:$0x2]  }
0x4: {  	s0 =	rddreg [dreg:$0x3];
	s6 =	srdreg.scid  }
0x5: {  	s4 =	simm.s32 $0x0;
	s2 =	stileid.u32;
	s14 =	simm.s32 $0x50  }
0x6: {  	s15 =	simm.s32 $0x8000;
	s16 =	simm.s32 $0x1;
	s17 =	simm.s32 $0x0  }
0x7: {  	s6 =	sand.u32 $0x1, s6;
	s7 =	sshll.u32 s2, $0xC;
	s9 =	smul.u32 $0x13C00, s2  }
0x8: {  	[smem:$0x7FF] =	sst s4;
	s29 =	smul.u32 $0x4F000, s2;
	s31 =	sshll.u32 s2, $0x6  }
0x9: {  	s8 =	sshll.u32 s6, $0xB;
	s26 =	smul.u32 $0x13C000, s6;
	_ =	strace $0x80000047  }
0xa: {  	s6 =	ssub.s32 $0x2, s6;
	s7 =	sor.u32 s8, s7;
	s28 =	sshrl.u32 s9, $0x3  }
0xb: {  	s11 =	sshrl.u32 s6, $0x1;
	s30 =	sshrl.u32 s29, $0x2;
	s10 =	sadd.s32 s7, s5  }
0xc: {  	s8 =	sadd.s32 s9, s26;
	s7 =	sadd.s32 s28, s5;
	s11 =	ssub.s32 s6, s11  }
0xd: {  	s13 =	sadd.s32 s30, s3;
	s6 =	sor.u32 $0x1C02, s31;
	s8 =	sshrl.u32 s8, $0x3  }
0xe: {  	s12 =	sadd.s32 s8, s5;
	s5 =	sadd.s32 $0x26800, s7;
	s7 =	sadd.s32 $0x6800, s10  }
0xf: {  	s8 =	sadd.s32 $0x16800, s10;
	s10 =	smax.u32 s11, $0x1;
	s11 =	sshrl.u32 s13, $0x3  }
0x10: {  	s13 =	simm.s32 $0x4000;
	s9 =	sadd.s32 $0x4E000, s12;
	s12 =	simm.s32 $0x2  }
.LBB2_1:
0x11: {  	[spmem:s11], [sflag:s6] =	dma.local [hbm:s5], $0x2780  }
0x12: {  	_ =	swait.ge [sflag:s12], $0x2780  }
0x13: {  	[sflag:s12] =	ssyncset.done $0x0  }
0x14: {  	[sflag:s12] =	ssyncadd.s32 $0xFFFFD880  }
0x15: {  	[tilespmem:s4], [sflag:$0x2] =	stream.linear.gather [hbm4b:s7+s4], $0x3E80, $0x38;
	[tilespmem:$0x1E400] =	vst v63  }
0x16: {  	_ =	swait.ge [sflag:s12], $0x3E80  }
0x17: {  	[sflag:s12] =	ssyncset.done $0x0  }
0x18: {  	[sflag:s12] =	ssyncadd.s32 $0xFFFFC180  }
0x19: {  	[tilespmem:s13], [sflag:$0x2] =	stream.linear.gather [hbm4b:s8+s4], $0x3E80, $0x38;
	[tilespmem:$0x1E400] =	vst v63  }
0x1a: {  	_ =	swait.ge [sflag:s12], $0x3E80  }
0x1b: {  	[sflag:s12] =	ssyncset.done $0x0  }
0x1c: {  	[sflag:s12] =	ssyncadd.s32 $0xFFFFC180  }
0x1d: {  	s18 =	simm.s32 $0x0;
	[bflag:$0x0] =	sbarrier.arrive $0xFFFF  }
0x1e: {  	[tilespmem:s15], [sflag:$0x1] =	stream.indirect.gather [hbm4b:s1+s14], $0x80, s18, s14, $0xb8;
	[tilespmem:$0x1E400] =	vst v63  }
0x1f: {  	_ =	swait.ge [sflag:s16], $0x2800  }
0x20: {  	[sflag:s16] =	ssyncset.done $0x0  }
0x21: {  	s31 =	simm.s32 $0x4000;
	[sflag:s16] =	ssyncadd.s32 $0xFFFFD800  }
0x22: {  	[spmem:s3] =	stream.indirect.scatter.add.f32 [tilespmem:s15], [sflag:$0x2], $0x80, s31, s14, $0xb8;
	[tilespmem:$0x1E400] =	vst v63  }
0x23: {  	_ =	swait.ge [sflag:s12], $0x2800  }
0x24: {  	s19 =	simm.s32 $0x400;
	s18 =	simm.s32 $0x200;
	[sflag:s12] =	ssyncset.done $0x0  }
.LBB2_2:
0x25: {  	s20 =	sshra.s32 s18, $0x2  }
0x26: {  	[sflag:s12] =	ssyncadd.s32 $0xFFFFD800;
	s18 =	smov.u32 s19;
	s21 =	sadd.s32 $0x200, s19  }
0x27: {  	[tilespmem:s15], [sflag:$0x1] =	stream.indirect.gather [hbm4b:s1+s14], $0x80, s20, s14, $0xb8;
	[tilespmem:$0x1E400] =	vst v63  }
0x28: {  	p0 =	sne.s32 s19, $0xF800;
	_ =	swait.ge [sflag:s16], $0x2800  }
.Ltmp0:
0x29: {  	[sflag:s16] =	ssyncset.done $0x0;
	(pc) =	sbr.rel @p0 .LBB2_2-.Ltmp0, $4  }
0x2a: {  	s19 =	sadd.s32 $0x4000, s20;
	[sflag:s16] =	ssyncadd.s32 $0xFFFFD800  }
0x2b: {  	[spmem:s3] =	stream.indirect.scatter.add.f32 [tilespmem:s15], [sflag:$0x2], $0x80, s19, s14, $0xb8;
	[tilespmem:$0x1E400] =	vst v63  }
0x2c: {  	_ =	swait.ge [sflag:s12], $0x2800  }
0x2d: {  	s19 =	smov.u32 s21;
	[sflag:s12] =	ssyncset.done $0x0  }
0x2e: {  	s18 =	sshra.s32 s18, $0x2;
	[sflag:s12] =	ssyncadd.s32 $0xFFFFD800  }
0x2f: {  	[tilespmem:s15], [sflag:$0x1] =	stream.indirect.gather [hbm4b:s1+s14], $0x80, s18, s14, $0xb8;
	[tilespmem:$0x1E400] =	vst v63  }
0x30: {  	_ =	swait.ge [sflag:s16], $0x2800  }
0x31: {  	[sflag:s16] =	ssyncset.done $0x0  }
0x32: {  	s18 =	sadd.s32 $0x4000, s18;
	[sflag:s16] =	ssyncadd.s32 $0xFFFFD800  }
0x33: {  	[spmem:s3] =	stream.indirect.scatter.add.f32 [tilespmem:s15], [sflag:$0x2], $0x80, s18, s14, $0xb8;
	[tilespmem:$0x1E400] =	vst v63  }
0x34: {  	_ =	swait.ge [sflag:s12], $0x2800  }
0x35: {  	s17 =	sadd.s32 $0x1, s17;
	[sflag:s12] =	ssyncset.done $0x0  }
0x36: {  	p0 =	sne.s32 s17, s10;
	[sflag:s12] =	ssyncadd.s32 $0xFFFFD800  }
.Ltmp1:
0x37: {  	[bflag:$0x0] =	sbarrier.arrive $0xFFFF;
	(pc) =	sbr.rel @p0 .LBB2_1-.Ltmp1, $4  }
0x38: {  	[hbm:s9], [sflag:s6] =	dma.local [spmem:s11], $0x2780  }
0x39: {  	_ =	swait.ge [sflag:s12], $0x2780  }
0x3a: {  	[sflag:s12] =	ssyncset.done $0x0  }
0x3b: {  	[sflag:s12] =	ssyncadd.s32 $0xFFFFD880  }
0x3c: {  	_ =	sfence.sel $0x180000  }
0x3d: {  	[bflag:$0x0] =	sbarrier.arrive $0xFFFF  }
0x3e: {  	p0 =	sne.s32 s2, $0x0;
	_ =	strace $0x90000047  }
0x3f: {  	s0 =	sadd.s32 @!p0 $0x100000, s0;
	[bflag:$0x2] =	sbarrier.arrive $0xFFFF  }
0x40: {  	[sflag:s0] =	ssyncadd.tile.s32 @!p0 $0x1;
	_ =	shalt  }
.Lfunc_end2:
_tile_overlayer_lowered:
.L_overlay_start_2:
0x41: {  	(tag) =	ssettag $0x2  }
0x42: {  	s0 =	rddreg [dreg:$0x0];
	s2 =	stileid.u32  }
0x43: {  	s1 =	rddreg [dreg:$0x1];
	p0 =	sne.s32 s2, $0x0  }
0x44: {  	s3 =	rddreg [dreg:$0x2];
	[bflag:$0x3] =	sbarrier.arrive $0xFFFF;
	s2 =	simm.s32 @!p0 $0x1C02  }
0x45: {  	[timem:s3], [sflag:s2] =	dma.local @!p0 [hbm:s0], s1  }
0x46: {  	s0 =	simm.s32 @!p0 $0x2  }
0x47: {  	_ =	swait.ge @!p0 [sflag:s0], s1  }
0x48: {  	s1 =	ssub.s32 @!p0 $0x0, s1;
	[sflag:s0] =	ssyncset.done @!p0 $0x0  }
0x49: {  	[sflag:s0] =	ssyncadd.s32 @!p0 s1  }
0x4a: {  	[bflag:$0x3] =	sbarrier.arrive $0xFFFF  }
0x4b: {  	_ =	shalt  }

</sc_bundles>
